<compile_context>
chip_gen: v7x
topology: tpu7x:2x2x1
jax: 0.10.2.dev20260603
libtpu: 0.0.44.dev20260713+nightly
codegen_flags: <defaults>
</compile_context>

<pallas_src>
import functools

import jax
import jax.numpy as jnp
from jax import lax
from jax.experimental import pallas as pl
from jax.experimental.pallas import tpu as pltpu
from jax.experimental.pallas import tpu_sc as plsc


def kernel(tokens, W_pos):
    batch, seq_len = tokens.shape
    d_model = W_pos.shape[1]

    info = plsc.get_sparse_core_info()
    NC, NS = info.num_cores, info.num_subcores
    NW = NC * NS
    rows_per_w = seq_len // NW
    C = 32
    n_chunks = rows_per_w // C

    mesh = plsc.VectorSubcoreMesh(core_axis_name="c", subcore_axis_name="s")

    @functools.partial(
        pl.kernel,
        mesh=mesh,
        out_type=jax.ShapeDtypeStruct((batch, seq_len, d_model), W_pos.dtype),
        scratch_types=[
            pltpu.VMEM((C, d_model), jnp.float32),
            pltpu.VMEM_SHARED((NS, C, d_model), jnp.float32),
            pltpu.SemaphoreType.DMA,
            pltpu.SemaphoreType.DMA,
        ],
    )
    def sc_broadcast(w_hbm, out_hbm, buf, sbuf, rsem, wsem):
        cid = lax.axis_index("c")
        sid = lax.axis_index("s")
        wid = sid * NC + cid
        base0 = wid * rows_per_w
        baseB = base0 + (n_chunks - 1) * C
        hb_read = pltpu.async_copy(w_hbm.at[pl.ds(baseB, C)], sbuf.at[sid], rsem)
        hb_writes = None
        for c in range(n_chunks - 1):
            base = base0 + c * C
            pltpu.sync_copy(w_hbm.at[pl.ds(base, C)], buf)
            for b in range(batch):
                pltpu.sync_copy(buf, out_hbm.at[b, pl.ds(base, C)])
            if c == 0:
                hb_read.wait()
                hb_writes = [
                    pltpu.async_copy(
                        sbuf.at[sid], out_hbm.at[b, pl.ds(baseB, C)], wsem)
                    for b in range(batch)
                ]
        for h in hb_writes:
            h.wait()

    return sc_broadcast(W_pos)

# --- scband reference (transcript-rebuilt; emitter-appended) ---
"""Pipeline reference for scband-pos-embedding-8237747274426 (READ-ONLY COPY).

The authoritative reference and input builder live on the scoring server;
editing this copy changes nothing except your own understanding.
"""

import jax, jax.numpy as jnp
import numpy as np

N_CTX = 8192
D_MODEL = 2048
BATCH = 4
SEQ_LEN = 4096
INIT_RANGE = 0.02

def setup_inputs(seed: int = 0) -> dict:
    key = jax.random.key(seed)
    k1, k2 = jax.random.split(key)
    tokens = jax.random.randint(k1, (BATCH, SEQ_LEN), 0, 50000, dtype=jnp.int64 if jax.config.jax_enable_x64 else jnp.int32)
    W_pos = jax.random.normal(k2, (N_CTX, D_MODEL), dtype=jnp.float32) * INIT_RANGE
    return {"tokens": tokens, "W_pos": W_pos}

def reference(tokens, W_pos):
    # Positional embedding: take the first seq_len rows of W_pos and
    # broadcast across the batch dimension (standard transformer pos-embed).
    batch, seq_len = tokens.shape
    pos_embed = W_pos[:seq_len, :]  # [seq_len, d_model]
    out = jnp.broadcast_to(pos_embed[None, :, :], (batch, seq_len, pos_embed.shape[-1]))
    return out

if __name__ == "__main__":
    import jax
    _d = setup_inputs()
    print(jax.jit(kernel)(*tuple(_d.values())))

</pallas_src>

<mosaic_0001>
#map = affine_map<(d0, d1) -> (0, 0)>
#map1 = affine_map<(d0, d1) -> (0, 0, 0)>
module attributes {stable_mosaic.version = 14 : i64} {
  func.func @sc_broadcast(%arg0: i32, %arg1: i32, %arg2: memref<8192x2048xf32, #tpu.memory_space<hbm>>, %arg3: memref<4x4096x2048xf32, #tpu.memory_space<hbm>>, %arg4: memref<32x2048xf32, #tpu.memory_space<vmem>>, %arg5: memref<16x32x2048xf32, #tpu.memory_space<vmem_shared>>, %arg6: memref<!tpu.dma_semaphore, #tpu.memory_space<semaphore_mem>>, %arg7: memref<!tpu.dma_semaphore, #tpu.memory_space<semaphore_mem>>) attributes {dimension_semantics = [#tpu.dimension_semantics<core_parallel>, #tpu.dimension_semantics<subcore_parallel>], iteration_bounds = array<i64: 2, 16>, scalar_prefetch = 0 : i64, scratch_operands = 4 : i64, tpu.core_type = #tpu.core_type<sc_vector_subcore>, window_params = [{transform_indices = #map}, {transform_indices = #map1}]} {
    %mul3A = arith.constant 2 : i32
    %mul3A_0 = arith.muli %arg1, %mul3A : i32
    %add3A = arith.addi %mul3A_0, %arg0 : i32
    %mul3A_1 = arith.constant 128 : i32
    %mul3A_2 = arith.muli %add3A, %mul3A_1 : i32
    %add3A_3 = arith.constant 96 : i32
    %add3A_4 = arith.addi %mul3A_2, %add3A_3 : i32
    %dma_start3A = arith.constant 0 : i32
    %dma_start3A_5 = arith.constant 0 : i32
    %dma_start3A_6 = tpu.memref_slice %arg5[%arg1, %dma_start3A, %dma_start3A_5] : memref<16x32x2048xf32, #tpu.memory_space<vmem_shared>> -> memref<1x32x2048xf32, #tpu.memory_space<vmem_shared>>
    %dma_start3A_7 = tpu.memref_squeeze %dma_start3A_6 : memref<1x32x2048xf32, #tpu.memory_space<vmem_shared>> -> memref<32x2048xf32, #tpu.memory_space<vmem_shared>>
    %dma_start3A_8 = arith.constant 0 : i32
    %dma_start3A_9 = tpu.memref_slice %arg2[%add3A_4, %dma_start3A_8] : memref<8192x2048xf32, #tpu.memory_space<hbm>> -> memref<32x2048xf32, #tpu.memory_space<hbm>>
    tpu.enqueue_dma source(%dma_start3A_9 : memref<32x2048xf32, #tpu.memory_space<hbm>>) target(%dma_start3A_7 : memref<32x2048xf32, #tpu.memory_space<vmem_shared>>) target_semaphore(%arg6 : memref<!tpu.dma_semaphore, #tpu.memory_space<semaphore_mem>>)
    %add3A_10 = arith.constant 0 : i32
    %add3A_11 = arith.addi %mul3A_2, %add3A_10 : i32
    "tpu.region"() ({
      %run_scoped3A_96 = tpu.sem_alloc : memref<!tpu.dma_semaphore, #tpu.memory_space<semaphore_mem>>
      %dma_start3A_97 = arith.constant 0 : i32
      %dma_start3A_98 = tpu.memref_slice %arg2[%add3A_11, %dma_start3A_97] : memref<8192x2048xf32, #tpu.memory_space<hbm>> -> memref<32x2048xf32, #tpu.memory_space<hbm>>
      %dma_start3A_99 = arith.constant 0 : i32
      %dma_start3A_100 = tpu.memref_slice %arg2[%add3A_11, %dma_start3A_99] : memref<8192x2048xf32, #tpu.memory_space<hbm>> -> memref<32x2048xf32, #tpu.memory_space<hbm>>
      tpu.enqueue_dma source(%dma_start3A_100 : memref<32x2048xf32, #tpu.memory_space<hbm>>) target(%arg4 : memref<32x2048xf32, #tpu.memory_space<vmem>>) target_semaphore(%run_scoped3A_96 : memref<!tpu.dma_semaphore, #tpu.memory_space<semaphore_mem>>)
      %dma_wait3A_101 = arith.constant 0 : i32
      %dma_wait3A_102 = tpu.memref_slice %arg2[%add3A_11, %dma_wait3A_101] : memref<8192x2048xf32, #tpu.memory_space<hbm>> -> memref<32x2048xf32, #tpu.memory_space<hbm>>
      %dma_wait3A_103 = arith.constant 0 : i32
      %dma_wait3A_104 = tpu.memref_slice %arg2[%add3A_11, %dma_wait3A_103] : memref<8192x2048xf32, #tpu.memory_space<hbm>> -> memref<32x2048xf32, #tpu.memory_space<hbm>>
      tpu.wait_dma2 semaphore(%run_scoped3A_96 : memref<!tpu.dma_semaphore, #tpu.memory_space<semaphore_mem>>) src(%dma_wait3A_104 : memref<32x2048xf32, #tpu.memory_space<hbm>>) dst(%arg4 : memref<32x2048xf32, #tpu.memory_space<vmem>>)
      tpu.yield
    }) : () -> ()
    %run_scoped3A = arith.constant 0 : i32
    "tpu.region"() ({
      %run_scoped3A_96 = tpu.sem_alloc : memref<!tpu.dma_semaphore, #tpu.memory_space<semaphore_mem>>
      %dma_start3A_97 = arith.constant 0 : i32
      %dma_start3A_98 = tpu.memref_slice %arg3[%run_scoped3A, %add3A_11, %dma_start3A_97] : memref<4x4096x2048xf32, #tpu.memory_space<hbm>> -> memref<1x32x2048xf32, #tpu.memory_space<hbm>>
      %dma_start3A_99 = tpu.memref_squeeze %dma_start3A_98 : memref<1x32x2048xf32, #tpu.memory_space<hbm>> -> memref<32x2048xf32, #tpu.memory_space<hbm>>
      %dma_start3A_100 = arith.constant 0 : i32
      %dma_start3A_101 = tpu.memref_slice %arg3[%run_scoped3A, %add3A_11, %dma_start3A_100] : memref<4x4096x2048xf32, #tpu.memory_space<hbm>> -> memref<1x32x2048xf32, #tpu.memory_space<hbm>>
      %dma_start3A_102 = tpu.memref_squeeze %dma_start3A_101 : memref<1x32x2048xf32, #tpu.memory_space<hbm>> -> memref<32x2048xf32, #tpu.memory_space<hbm>>
      tpu.enqueue_dma source(%arg4 : memref<32x2048xf32, #tpu.memory_space<vmem>>) target(%dma_start3A_102 : memref<32x2048xf32, #tpu.memory_space<hbm>>) target_semaphore(%run_scoped3A_96 : memref<!tpu.dma_semaphore, #tpu.memory_space<semaphore_mem>>)
      %dma_wait3A_103 = arith.constant 0 : i32
      %dma_wait3A_104 = tpu.memref_slice %arg3[%run_scoped3A, %add3A_11, %dma_wait3A_103] : memref<4x4096x2048xf32, #tpu.memory_space<hbm>> -> memref<1x32x2048xf32, #tpu.memory_space<hbm>>
      %dma_wait3A_105 = tpu.memref_squeeze %dma_wait3A_104 : memref<1x32x2048xf32, #tpu.memory_space<hbm>> -> memref<32x2048xf32, #tpu.memory_space<hbm>>
      %dma_wait3A_106 = arith.constant 0 : i32
      %dma_wait3A_107 = tpu.memref_slice %arg3[%run_scoped3A, %add3A_11, %dma_wait3A_106] : memref<4x4096x2048xf32, #tpu.memory_space<hbm>> -> memref<1x32x2048xf32, #tpu.memory_space<hbm>>
      %dma_wait3A_108 = tpu.memref_squeeze %dma_wait3A_107 : memref<1x32x2048xf32, #tpu.memory_space<hbm>> -> memref<32x2048xf32, #tpu.memory_space<hbm>>
      tpu.wait_dma2 semaphore(%run_scoped3A_96 : memref<!tpu.dma_semaphore, #tpu.memory_space<semaphore_mem>>) src(%arg4 : memref<32x2048xf32, #tpu.memory_space<vmem>>) dst(%dma_wait3A_108 : memref<32x2048xf32, #tpu.memory_space<hbm>>)
      tpu.yield
    }) : () -> ()
    %run_scoped3A_12 = arith.constant 1 : i32
    "tpu.region"() ({
      %run_scoped3A_96 = tpu.sem_alloc : memref<!tpu.dma_semaphore, #tpu.memory_space<semaphore_mem>>
      %dma_start3A_97 = arith.constant 0 : i32
      %dma_start3A_98 = tpu.memref_slice %arg3[%run_scoped3A_12, %add3A_11, %dma_start3A_97] : memref<4x4096x2048xf32, #tpu.memory_space<hbm>> -> memref<1x32x2048xf32, #tpu.memory_space<hbm>>
      %dma_start3A_99 = tpu.memref_squeeze %dma_start3A_98 : memref<1x32x2048xf32, #tpu.memory_space<hbm>> -> memref<32x2048xf32, #tpu.memory_space<hbm>>
      %dma_start3A_100 = arith.constant 0 : i32
      %dma_start3A_101 = tpu.memref_slice %arg3[%run_scoped3A_12, %add3A_11, %dma_start3A_100] : memref<4x4096x2048xf32, #tpu.memory_space<hbm>> -> memref<1x32x2048xf32, #tpu.memory_space<hbm>>
      %dma_start3A_102 = tpu.memref_squeeze %dma_start3A_101 : memref<1x32x2048xf32, #tpu.memory_space<hbm>> -> memref<32x2048xf32, #tpu.memory_space<hbm>>
      tpu.enqueue_dma source(%arg4 : memref<32x2048xf32, #tpu.memory_space<vmem>>) target(%dma_start3A_102 : memref<32x2048xf32, #tpu.memory_space<hbm>>) target_semaphore(%run_scoped3A_96 : memref<!tpu.dma_semaphore, #tpu.memory_space<semaphore_mem>>)
      %dma_wait3A_103 = arith.constant 0 : i32
      %dma_wait3A_104 = tpu.memref_slice %arg3[%run_scoped3A_12, %add3A_11, %dma_wait3A_103] : memref<4x4096x2048xf32, #tpu.memory_space<hbm>> -> memref<1x32x2048xf32, #tpu.memory_space<hbm>>
      %dma_wait3A_105 = tpu.memref_squeeze %dma_wait3A_104 : memref<1x32x2048xf32, #tpu.memory_space<hbm>> -> memref<32x2048xf32, #tpu.memory_space<hbm>>
      %dma_wait3A_106 = arith.constant 0 : i32
      %dma_wait3A_107 = tpu.memref_slice %arg3[%run_scoped3A_12, %add3A_11, %dma_wait3A_106] : memref<4x4096x2048xf32, #tpu.memory_space<hbm>> -> memref<1x32x2048xf32, #tpu.memory_space<hbm>>
      %dma_wait3A_108 = tpu.memref_squeeze %dma_wait3A_107 : memref<1x32x2048xf32, #tpu.memory_space<hbm>> -> memref<32x2048xf32, #tpu.memory_space<hbm>>
      tpu.wait_dma2 semaphore(%run_scoped3A_96 : memref<!tpu.dma_semaphore, #tpu.memory_space<semaphore_mem>>) src(%arg4 : memref<32x2048xf32, #tpu.memory_space<vmem>>) dst(%dma_wait3A_108 : memref<32x2048xf32, #tpu.memory_space<hbm>>)
      tpu.yield
    }) : () -> ()
    %run_scoped3A_13 = arith.constant 2 : i32
    "tpu.region"() ({
      %run_scoped3A_96 = tpu.sem_alloc : memref<!tpu.dma_semaphore, #tpu.memory_space<semaphore_mem>>
      %dma_start3A_97 = arith.constant 0 : i32
      %dma_start3A_98 = tpu.memref_slice %arg3[%run_scoped3A_13, %add3A_11, %dma_start3A_97] : memref<4x4096x2048xf32, #tpu.memory_space<hbm>> -> memref<1x32x2048xf32, #tpu.memory_space<hbm>>
      %dma_start3A_99 = tpu.memref_squeeze %dma_start3A_98 : memref<1x32x2048xf32, #tpu.memory_space<hbm>> -> memref<32x2048xf32, #tpu.memory_space<hbm>>
      %dma_start3A_100 = arith.constant 0 : i32
      %dma_start3A_101 = tpu.memref_slice %arg3[%run_scoped3A_13, %add3A_11, %dma_start3A_100] : memref<4x4096x2048xf32, #tpu.memory_space<hbm>> -> memref<1x32x2048xf32, #tpu.memory_space<hbm>>
      %dma_start3A_102 = tpu.memref_squeeze %dma_start3A_101 : memref<1x32x2048xf32, #tpu.memory_space<hbm>> -> memref<32x2048xf32, #tpu.memory_space<hbm>>
      tpu.enqueue_dma source(%arg4 : memref<32x2048xf32, #tpu.memory_space<vmem>>) target(%dma_start3A_102 : memref<32x2048xf32, #tpu.memory_space<hbm>>) target_semaphore(%run_scoped3A_96 : memref<!tpu.dma_semaphore, #tpu.memory_space<semaphore_mem>>)
      %dma_wait3A_103 = arith.constant 0 : i32
      %dma_wait3A_104 = tpu.memref_slice %arg3[%run_scoped3A_13, %add3A_11, %dma_wait3A_103] : memref<4x4096x2048xf32, #tpu.memory_space<hbm>> -> memref<1x32x2048xf32, #tpu.memory_space<hbm>>
      %dma_wait3A_105 = tpu.memref_squeeze %dma_wait3A_104 : memref<1x32x2048xf32, #tpu.memory_space<hbm>> -> memref<32x2048xf32, #tpu.memory_space<hbm>>
      %dma_wait3A_106 = arith.constant 0 : i32
      %dma_wait3A_107 = tpu.memref_slice %arg3[%run_scoped3A_13, %add3A_11, %dma_wait3A_106] : memref<4x4096x2048xf32, #tpu.memory_space<hbm>> -> memref<1x32x2048xf32, #tpu.memory_space<hbm>>
      %dma_wait3A_108 = tpu.memref_squeeze %dma_wait3A_107 : memref<1x32x2048xf32, #tpu.memory_space<hbm>> -> memref<32x2048xf32, #tpu.memory_space<hbm>>
      tpu.wait_dma2 semaphore(%run_scoped3A_96 : memref<!tpu.dma_semaphore, #tpu.memory_space<semaphore_mem>>) src(%arg4 : memref<32x2048xf32, #tpu.memory_space<vmem>>) dst(%dma_wait3A_108 : memref<32x2048xf32, #tpu.memory_space<hbm>>)
      tpu.yield
    }) : () -> ()
    %run_scoped3A_14 = arith.constant 3 : i32
    "tpu.region"() ({
      %run_scoped3A_96 = tpu.sem_alloc : memref<!tpu.dma_semaphore, #tpu.memory_space<semaphore_mem>>
      %dma_start3A_97 = arith.constant 0 : i32
      %dma_start3A_98 = tpu.memref_slice %arg3[%run_scoped3A_14, %add3A_11, %dma_start3A_97] : memref<4x4096x2048xf32, #tpu.memory_space<hbm>> -> memref<1x32x2048xf32, #tpu.memory_space<hbm>>
      %dma_start3A_99 = tpu.memref_squeeze %dma_start3A_98 : memref<1x32x2048xf32, #tpu.memory_space<hbm>> -> memref<32x2048xf32, #tpu.memory_space<hbm>>
      %dma_start3A_100 = arith.constant 0 : i32
      %dma_start3A_101 = tpu.memref_slice %arg3[%run_scoped3A_14, %add3A_11, %dma_start3A_100] : memref<4x4096x2048xf32, #tpu.memory_space<hbm>> -> memref<1x32x2048xf32, #tpu.memory_space<hbm>>
      %dma_start3A_102 = tpu.memref_squeeze %dma_start3A_101 : memref<1x32x2048xf32, #tpu.memory_space<hbm>> -> memref<32x2048xf32, #tpu.memory_space<hbm>>
      tpu.enqueue_dma source(%arg4 : memref<32x2048xf32, #tpu.memory_space<vmem>>) target(%dma_start3A_102 : memref<32x2048xf32, #tpu.memory_space<hbm>>) target_semaphore(%run_scoped3A_96 : memref<!tpu.dma_semaphore, #tpu.memory_space<semaphore_mem>>)
      %dma_wait3A_103 = arith.constant 0 : i32
      %dma_wait3A_104 = tpu.memref_slice %arg3[%run_scoped3A_14, %add3A_11, %dma_wait3A_103] : memref<4x4096x2048xf32, #tpu.memory_space<hbm>> -> memref<1x32x2048xf32, #tpu.memory_space<hbm>>
      %dma_wait3A_105 = tpu.memref_squeeze %dma_wait3A_104 : memref<1x32x2048xf32, #tpu.memory_space<hbm>> -> memref<32x2048xf32, #tpu.memory_space<hbm>>
      %dma_wait3A_106 = arith.constant 0 : i32
      %dma_wait3A_107 = tpu.memref_slice %arg3[%run_scoped3A_14, %add3A_11, %dma_wait3A_106] : memref<4x4096x2048xf32, #tpu.memory_space<hbm>> -> memref<1x32x2048xf32, #tpu.memory_space<hbm>>
      %dma_wait3A_108 = tpu.memref_squeeze %dma_wait3A_107 : memref<1x32x2048xf32, #tpu.memory_space<hbm>> -> memref<32x2048xf32, #tpu.memory_space<hbm>>
      tpu.wait_dma2 semaphore(%run_scoped3A_96 : memref<!tpu.dma_semaphore, #tpu.memory_space<semaphore_mem>>) src(%arg4 : memref<32x2048xf32, #tpu.memory_space<vmem>>) dst(%dma_wait3A_108 : memref<32x2048xf32, #tpu.memory_space<hbm>>)
      tpu.yield
    }) : () -> ()
    %dma_wait3A = arith.constant 0 : i32
    %dma_wait3A_15 = arith.constant 0 : i32
    %dma_wait3A_16 = tpu.memref_slice %arg5[%arg1, %dma_wait3A, %dma_wait3A_15] : memref<16x32x2048xf32, #tpu.memory_space<vmem_shared>> -> memref<1x32x2048xf32, #tpu.memory_space<vmem_shared>>
    %dma_wait3A_17 = tpu.memref_squeeze %dma_wait3A_16 : memref<1x32x2048xf32, #tpu.memory_space<vmem_shared>> -> memref<32x2048xf32, #tpu.memory_space<vmem_shared>>
    %dma_wait3A_18 = arith.constant 0 : i32
    %dma_wait3A_19 = tpu.memref_slice %arg2[%add3A_4, %dma_wait3A_18] : memref<8192x2048xf32, #tpu.memory_space<hbm>> -> memref<32x2048xf32, #tpu.memory_space<hbm>>
    tpu.wait_dma2 semaphore(%arg6 : memref<!tpu.dma_semaphore, #tpu.memory_space<semaphore_mem>>) src(%dma_wait3A_19 : memref<32x2048xf32, #tpu.memory_space<hbm>>) dst(%dma_wait3A_17 : memref<32x2048xf32, #tpu.memory_space<vmem_shared>>)
    %dma_start3A_20 = arith.constant 0 : i32
    %dma_start3A_21 = arith.constant 0 : i32
    %dma_start3A_22 = tpu.memref_slice %arg3[%dma_start3A_20, %add3A_4, %dma_start3A_21] : memref<4x4096x2048xf32, #tpu.memory_space<hbm>> -> memref<1x32x2048xf32, #tpu.memory_space<hbm>>
    %dma_start3A_23 = tpu.memref_squeeze %dma_start3A_22 : memref<1x32x2048xf32, #tpu.memory_space<hbm>> -> memref<32x2048xf32, #tpu.memory_space<hbm>>
    %dma_start3A_24 = arith.constant 0 : i32
    %dma_start3A_25 = arith.constant 0 : i32
    %dma_start3A_26 = tpu.memref_slice %arg5[%arg1, %dma_start3A_24, %dma_start3A_25] : memref<16x32x2048xf32, #tpu.memory_space<vmem_shared>> -> memref<1x32x2048xf32, #tpu.memory_space<vmem_shared>>
    %dma_start3A_27 = tpu.memref_squeeze %dma_start3A_26 : memref<1x32x2048xf32, #tpu.memory_space<vmem_shared>> -> memref<32x2048xf32, #tpu.memory_space<vmem_shared>>
    tpu.enqueue_dma source(%dma_start3A_27 : memref<32x2048xf32, #tpu.memory_space<vmem_shared>>) target(%dma_start3A_23 : memref<32x2048xf32, #tpu.memory_space<hbm>>) target_semaphore(%arg7 : memref<!tpu.dma_semaphore, #tpu.memory_space<semaphore_mem>>)
    %dma_start3A_28 = arith.constant 1 : i32
    %dma_start3A_29 = arith.constant 0 : i32
    %dma_start3A_30 = tpu.memref_slice %arg3[%dma_start3A_28, %add3A_4, %dma_start3A_29] : memref<4x4096x2048xf32, #tpu.memory_space<hbm>> -> memref<1x32x2048xf32, #tpu.memory_space<hbm>>
    %dma_start3A_31 = tpu.memref_squeeze %dma_start3A_30 : memref<1x32x2048xf32, #tpu.memory_space<hbm>> -> memref<32x2048xf32, #tpu.memory_space<hbm>>
    %dma_start3A_32 = arith.constant 0 : i32
    %dma_start3A_33 = arith.constant 0 : i32
    %dma_start3A_34 = tpu.memref_slice %arg5[%arg1, %dma_start3A_32, %dma_start3A_33] : memref<16x32x2048xf32, #tpu.memory_space<vmem_shared>> -> memref<1x32x2048xf32, #tpu.memory_space<vmem_shared>>
    %dma_start3A_35 = tpu.memref_squeeze %dma_start3A_34 : memref<1x32x2048xf32, #tpu.memory_space<vmem_shared>> -> memref<32x2048xf32, #tpu.memory_space<vmem_shared>>
    tpu.enqueue_dma source(%dma_start3A_35 : memref<32x2048xf32, #tpu.memory_space<vmem_shared>>) target(%dma_start3A_31 : memref<32x2048xf32, #tpu.memory_space<hbm>>) target_semaphore(%arg7 : memref<!tpu.dma_semaphore, #tpu.memory_space<semaphore_mem>>)
    %dma_start3A_36 = arith.constant 2 : i32
    %dma_start3A_37 = arith.constant 0 : i32
    %dma_start3A_38 = tpu.memref_slice %arg3[%dma_start3A_36, %add3A_4, %dma_start3A_37] : memref<4x4096x2048xf32, #tpu.memory_space<hbm>> -> memref<1x32x2048xf32, #tpu.memory_space<hbm>>
    %dma_start3A_39 = tpu.memref_squeeze %dma_start3A_38 : memref<1x32x2048xf32, #tpu.memory_space<hbm>> -> memref<32x2048xf32, #tpu.memory_space<hbm>>
    %dma_start3A_40 = arith.constant 0 : i32
    %dma_start3A_41 = arith.constant 0 : i32
    %dma_start3A_42 = tpu.memref_slice %arg5[%arg1, %dma_start3A_40, %dma_start3A_41] : memref<16x32x2048xf32, #tpu.memory_space<vmem_shared>> -> memref<1x32x2048xf32, #tpu.memory_space<vmem_shared>>
    %dma_start3A_43 = tpu.memref_squeeze %dma_start3A_42 : memref<1x32x2048xf32, #tpu.memory_space<vmem_shared>> -> memref<32x2048xf32, #tpu.memory_space<vmem_shared>>
    tpu.enqueue_dma source(%dma_start3A_43 : memref<32x2048xf32, #tpu.memory_space<vmem_shared>>) target(%dma_start3A_39 : memref<32x2048xf32, #tpu.memory_space<hbm>>) target_semaphore(%arg7 : memref<!tpu.dma_semaphore, #tpu.memory_space<semaphore_mem>>)
    %dma_start3A_44 = arith.constant 3 : i32
    %dma_start3A_45 = arith.constant 0 : i32
    %dma_start3A_46 = tpu.memref_slice %arg3[%dma_start3A_44, %add3A_4, %dma_start3A_45] : memref<4x4096x2048xf32, #tpu.memory_space<hbm>> -> memref<1x32x2048xf32, #tpu.memory_space<hbm>>
    %dma_start3A_47 = tpu.memref_squeeze %dma_start3A_46 : memref<1x32x2048xf32, #tpu.memory_space<hbm>> -> memref<32x2048xf32, #tpu.memory_space<hbm>>
    %dma_start3A_48 = arith.constant 0 : i32
    %dma_start3A_49 = arith.constant 0 : i32
    %dma_start3A_50 = tpu.memref_slice %arg5[%arg1, %dma_start3A_48, %dma_start3A_49] : memref<16x32x2048xf32, #tpu.memory_space<vmem_shared>> -> memref<1x32x2048xf32, #tpu.memory_space<vmem_shared>>
    %dma_start3A_51 = tpu.memref_squeeze %dma_start3A_50 : memref<1x32x2048xf32, #tpu.memory_space<vmem_shared>> -> memref<32x2048xf32, #tpu.memory_space<vmem_shared>>
    tpu.enqueue_dma source(%dma_start3A_51 : memref<32x2048xf32, #tpu.memory_space<vmem_shared>>) target(%dma_start3A_47 : memref<32x2048xf32, #tpu.memory_space<hbm>>) target_semaphore(%arg7 : memref<!tpu.dma_semaphore, #tpu.memory_space<semaphore_mem>>)
    %add3A_52 = arith.constant 32 : i32
    %add3A_53 = arith.addi %mul3A_2, %add3A_52 : i32
    "tpu.region"() ({
      %run_scoped3A_96 = tpu.sem_alloc : memref<!tpu.dma_semaphore, #tpu.memory_space<semaphore_mem>>
      %dma_start3A_97 = arith.constant 0 : i32
      %dma_start3A_98 = tpu.memref_slice %arg2[%add3A_53, %dma_start3A_97] : memref<8192x2048xf32, #tpu.memory_space<hbm>> -> memref<32x2048xf32, #tpu.memory_space<hbm>>
      %dma_start3A_99 = arith.constant 0 : i32
      %dma_start3A_100 = tpu.memref_slice %arg2[%add3A_53, %dma_start3A_99] : memref<8192x2048xf32, #tpu.memory_space<hbm>> -> memref<32x2048xf32, #tpu.memory_space<hbm>>
      tpu.enqueue_dma source(%dma_start3A_100 : memref<32x2048xf32, #tpu.memory_space<hbm>>) target(%arg4 : memref<32x2048xf32, #tpu.memory_space<vmem>>) target_semaphore(%run_scoped3A_96 : memref<!tpu.dma_semaphore, #tpu.memory_space<semaphore_mem>>)
      %dma_wait3A_101 = arith.constant 0 : i32
      %dma_wait3A_102 = tpu.memref_slice %arg2[%add3A_53, %dma_wait3A_101] : memref<8192x2048xf32, #tpu.memory_space<hbm>> -> memref<32x2048xf32, #tpu.memory_space<hbm>>
      %dma_wait3A_103 = arith.constant 0 : i32
      %dma_wait3A_104 = tpu.memref_slice %arg2[%add3A_53, %dma_wait3A_103] : memref<8192x2048xf32, #tpu.memory_space<hbm>> -> memref<32x2048xf32, #tpu.memory_space<hbm>>
      tpu.wait_dma2 semaphore(%run_scoped3A_96 : memref<!tpu.dma_semaphore, #tpu.memory_space<semaphore_mem>>) src(%dma_wait3A_104 : memref<32x2048xf32, #tpu.memory_space<hbm>>) dst(%arg4 : memref<32x2048xf32, #tpu.memory_space<vmem>>)
      tpu.yield
    }) : () -> ()
    %run_scoped3A_54 = arith.constant 0 : i32
    "tpu.region"() ({
      %run_scoped3A_96 = tpu.sem_alloc : memref<!tpu.dma_semaphore, #tpu.memory_space<semaphore_mem>>
      %dma_start3A_97 = arith.constant 0 : i32
      %dma_start3A_98 = tpu.memref_slice %arg3[%run_scoped3A_54, %add3A_53, %dma_start3A_97] : memref<4x4096x2048xf32, #tpu.memory_space<hbm>> -> memref<1x32x2048xf32, #tpu.memory_space<hbm>>
      %dma_start3A_99 = tpu.memref_squeeze %dma_start3A_98 : memref<1x32x2048xf32, #tpu.memory_space<hbm>> -> memref<32x2048xf32, #tpu.memory_space<hbm>>
      %dma_start3A_100 = arith.constant 0 : i32
      %dma_start3A_101 = tpu.memref_slice %arg3[%run_scoped3A_54, %add3A_53, %dma_start3A_100] : memref<4x4096x2048xf32, #tpu.memory_space<hbm>> -> memref<1x32x2048xf32, #tpu.memory_space<hbm>>
      %dma_start3A_102 = tpu.memref_squeeze %dma_start3A_101 : memref<1x32x2048xf32, #tpu.memory_space<hbm>> -> memref<32x2048xf32, #tpu.memory_space<hbm>>
      tpu.enqueue_dma source(%arg4 : memref<32x2048xf32, #tpu.memory_space<vmem>>) target(%dma_start3A_102 : memref<32x2048xf32, #tpu.memory_space<hbm>>) target_semaphore(%run_scoped3A_96 : memref<!tpu.dma_semaphore, #tpu.memory_space<semaphore_mem>>)
      %dma_wait3A_103 = arith.constant 0 : i32
      %dma_wait3A_104 = tpu.memref_slice %arg3[%run_scoped3A_54, %add3A_53, %dma_wait3A_103] : memref<4x4096x2048xf32, #tpu.memory_space<hbm>> -> memref<1x32x2048xf32, #tpu.memory_space<hbm>>
      %dma_wait3A_105 = tpu.memref_squeeze %dma_wait3A_104 : memref<1x32x2048xf32, #tpu.memory_space<hbm>> -> memref<32x2048xf32, #tpu.memory_space<hbm>>
      %dma_wait3A_106 = arith.constant 0 : i32
      %dma_wait3A_107 = tpu.memref_slice %arg3[%run_scoped3A_54, %add3A_53, %dma_wait3A_106] : memref<4x4096x2048xf32, #tpu.memory_space<hbm>> -> memref<1x32x2048xf32, #tpu.memory_space<hbm>>
      %dma_wait3A_108 = tpu.memref_squeeze %dma_wait3A_107 : memref<1x32x2048xf32, #tpu.memory_space<hbm>> -> memref<32x2048xf32, #tpu.memory_space<hbm>>
      tpu.wait_dma2 semaphore(%run_scoped3A_96 : memref<!tpu.dma_semaphore, #tpu.memory_space<semaphore_mem>>) src(%arg4 : memref<32x2048xf32, #tpu.memory_space<vmem>>) dst(%dma_wait3A_108 : memref<32x2048xf32, #tpu.memory_space<hbm>>)
      tpu.yield
    }) : () -> ()
    %run_scoped3A_55 = arith.constant 1 : i32
    "tpu.region"() ({
      %run_scoped3A_96 = tpu.sem_alloc : memref<!tpu.dma_semaphore, #tpu.memory_space<semaphore_mem>>
      %dma_start3A_97 = arith.constant 0 : i32
      %dma_start3A_98 = tpu.memref_slice %arg3[%run_scoped3A_55, %add3A_53, %dma_start3A_97] : memref<4x4096x2048xf32, #tpu.memory_space<hbm>> -> memref<1x32x2048xf32, #tpu.memory_space<hbm>>
      %dma_start3A_99 = tpu.memref_squeeze %dma_start3A_98 : memref<1x32x2048xf32, #tpu.memory_space<hbm>> -> memref<32x2048xf32, #tpu.memory_space<hbm>>
      %dma_start3A_100 = arith.constant 0 : i32
      %dma_start3A_101 = tpu.memref_slice %arg3[%run_scoped3A_55, %add3A_53, %dma_start3A_100] : memref<4x4096x2048xf32, #tpu.memory_space<hbm>> -> memref<1x32x2048xf32, #tpu.memory_space<hbm>>
      %dma_start3A_102 = tpu.memref_squeeze %dma_start3A_101 : memref<1x32x2048xf32, #tpu.memory_space<hbm>> -> memref<32x2048xf32, #tpu.memory_space<hbm>>
      tpu.enqueue_dma source(%arg4 : memref<32x2048xf32, #tpu.memory_space<vmem>>) target(%dma_start3A_102 : memref<32x2048xf32, #tpu.memory_space<hbm>>) target_semaphore(%run_scoped3A_96 : memref<!tpu.dma_semaphore, #tpu.memory_space<semaphore_mem>>)
      %dma_wait3A_103 = arith.constant 0 : i32
      %dma_wait3A_104 = tpu.memref_slice %arg3[%run_scoped3A_55, %add3A_53, %dma_wait3A_103] : memref<4x4096x2048xf32, #tpu.memory_space<hbm>> -> memref<1x32x2048xf32, #tpu.memory_space<hbm>>
      %dma_wait3A_105 = tpu.memref_squeeze %dma_wait3A_104 : memref<1x32x2048xf32, #tpu.memory_space<hbm>> -> memref<32x2048xf32, #tpu.memory_space<hbm>>
      %dma_wait3A_106 = arith.constant 0 : i32
      %dma_wait3A_107 = tpu.memref_slice %arg3[%run_scoped3A_55, %add3A_53, %dma_wait3A_106] : memref<4x4096x2048xf32, #tpu.memory_space<hbm>> -> memref<1x32x2048xf32, #tpu.memory_space<hbm>>
      %dma_wait3A_108 = tpu.memref_squeeze %dma_wait3A_107 : memref<1x32x2048xf32, #tpu.memory_space<hbm>> -> memref<32x2048xf32, #tpu.memory_space<hbm>>
      tpu.wait_dma2 semaphore(%run_scoped3A_96 : memref<!tpu.dma_semaphore, #tpu.memory_space<semaphore_mem>>) src(%arg4 : memref<32x2048xf32, #tpu.memory_space<vmem>>) dst(%dma_wait3A_108 : memref<32x2048xf32, #tpu.memory_space<hbm>>)
      tpu.yield
    }) : () -> ()
    %run_scoped3A_56 = arith.constant 2 : i32
    "tpu.region"() ({
      %run_scoped3A_96 = tpu.sem_alloc : memref<!tpu.dma_semaphore, #tpu.memory_space<semaphore_mem>>
      %dma_start3A_97 = arith.constant 0 : i32
      %dma_start3A_98 = tpu.memref_slice %arg3[%run_scoped3A_56, %add3A_53, %dma_start3A_97] : memref<4x4096x2048xf32, #tpu.memory_space<hbm>> -> memref<1x32x2048xf32, #tpu.memory_space<hbm>>
      %dma_start3A_99 = tpu.memref_squeeze %dma_start3A_98 : memref<1x32x2048xf32, #tpu.memory_space<hbm>> -> memref<32x2048xf32, #tpu.memory_space<hbm>>
      %dma_start3A_100 = arith.constant 0 : i32
      %dma_start3A_101 = tpu.memref_slice %arg3[%run_scoped3A_56, %add3A_53, %dma_start3A_100] : memref<4x4096x2048xf32, #tpu.memory_space<hbm>> -> memref<1x32x2048xf32, #tpu.memory_space<hbm>>
      %dma_start3A_102 = tpu.memref_squeeze %dma_start3A_101 : memref<1x32x2048xf32, #tpu.memory_space<hbm>> -> memref<32x2048xf32, #tpu.memory_space<hbm>>
      tpu.enqueue_dma source(%arg4 : memref<32x2048xf32, #tpu.memory_space<vmem>>) target(%dma_start3A_102 : memref<32x2048xf32, #tpu.memory_space<hbm>>) target_semaphore(%run_scoped3A_96 : memref<!tpu.dma_semaphore, #tpu.memory_space<semaphore_mem>>)
      %dma_wait3A_103 = arith.constant 0 : i32
      %dma_wait3A_104 = tpu.memref_slice %arg3[%run_scoped3A_56, %add3A_53, %dma_wait3A_103] : memref<4x4096x2048xf32, #tpu.memory_space<hbm>> -> memref<1x32x2048xf32, #tpu.memory_space<hbm>>
      %dma_wait3A_105 = tpu.memref_squeeze %dma_wait3A_104 : memref<1x32x2048xf32, #tpu.memory_space<hbm>> -> memref<32x2048xf32, #tpu.memory_space<hbm>>
      %dma_wait3A_106 = arith.constant 0 : i32
      %dma_wait3A_107 = tpu.memref_slice %arg3[%run_scoped3A_56, %add3A_53, %dma_wait3A_106] : memref<4x4096x2048xf32, #tpu.memory_space<hbm>> -> memref<1x32x2048xf32, #tpu.memory_space<hbm>>
      %dma_wait3A_108 = tpu.memref_squeeze %dma_wait3A_107 : memref<1x32x2048xf32, #tpu.memory_space<hbm>> -> memref<32x2048xf32, #tpu.memory_space<hbm>>
      tpu.wait_dma2 semaphore(%run_scoped3A_96 : memref<!tpu.dma_semaphore, #tpu.memory_space<semaphore_mem>>) src(%arg4 : memref<32x2048xf32, #tpu.memory_space<vmem>>) dst(%dma_wait3A_108 : memref<32x2048xf32, #tpu.memory_space<hbm>>)
      tpu.yield
    }) : () -> ()
    %run_scoped3A_57 = arith.constant 3 : i32
    "tpu.region"() ({
      %run_scoped3A_96 = tpu.sem_alloc : memref<!tpu.dma_semaphore, #tpu.memory_space<semaphore_mem>>
      %dma_start3A_97 = arith.constant 0 : i32
      %dma_start3A_98 = tpu.memref_slice %arg3[%run_scoped3A_57, %add3A_53, %dma_start3A_97] : memref<4x4096x2048xf32, #tpu.memory_space<hbm>> -> memref<1x32x2048xf32, #tpu.memory_space<hbm>>
      %dma_start3A_99 = tpu.memref_squeeze %dma_start3A_98 : memref<1x32x2048xf32, #tpu.memory_space<hbm>> -> memref<32x2048xf32, #tpu.memory_space<hbm>>
      %dma_start3A_100 = arith.constant 0 : i32
      %dma_start3A_101 = tpu.memref_slice %arg3[%run_scoped3A_57, %add3A_53, %dma_start3A_100] : memref<4x4096x2048xf32, #tpu.memory_space<hbm>> -> memref<1x32x2048xf32, #tpu.memory_space<hbm>>
      %dma_start3A_102 = tpu.memref_squeeze %dma_start3A_101 : memref<1x32x2048xf32, #tpu.memory_space<hbm>> -> memref<32x2048xf32, #tpu.memory_space<hbm>>
      tpu.enqueue_dma source(%arg4 : memref<32x2048xf32, #tpu.memory_space<vmem>>) target(%dma_start3A_102 : memref<32x2048xf32, #tpu.memory_space<hbm>>) target_semaphore(%run_scoped3A_96 : memref<!tpu.dma_semaphore, #tpu.memory_space<semaphore_mem>>)
      %dma_wait3A_103 = arith.constant 0 : i32
      %dma_wait3A_104 = tpu.memref_slice %arg3[%run_scoped3A_57, %add3A_53, %dma_wait3A_103] : memref<4x4096x2048xf32, #tpu.memory_space<hbm>> -> memref<1x32x2048xf32, #tpu.memory_space<hbm>>
      %dma_wait3A_105 = tpu.memref_squeeze %dma_wait3A_104 : memref<1x32x2048xf32, #tpu.memory_space<hbm>> -> memref<32x2048xf32, #tpu.memory_space<hbm>>
      %dma_wait3A_106 = arith.constant 0 : i32
      %dma_wait3A_107 = tpu.memref_slice %arg3[%run_scoped3A_57, %add3A_53, %dma_wait3A_106] : memref<4x4096x2048xf32, #tpu.memory_space<hbm>> -> memref<1x32x2048xf32, #tpu.memory_space<hbm>>
      %dma_wait3A_108 = tpu.memref_squeeze %dma_wait3A_107 : memref<1x32x2048xf32, #tpu.memory_space<hbm>> -> memref<32x2048xf32, #tpu.memory_space<hbm>>
      tpu.wait_dma2 semaphore(%run_scoped3A_96 : memref<!tpu.dma_semaphore, #tpu.memory_space<semaphore_mem>>) src(%arg4 : memref<32x2048xf32, #tpu.memory_space<vmem>>) dst(%dma_wait3A_108 : memref<32x2048xf32, #tpu.memory_space<hbm>>)
      tpu.yield
    }) : () -> ()
    %add3A_58 = arith.constant 64 : i32
    %add3A_59 = arith.addi %mul3A_2, %add3A_58 : i32
    "tpu.region"() ({
      %run_scoped3A_96 = tpu.sem_alloc : memref<!tpu.dma_semaphore, #tpu.memory_space<semaphore_mem>>
      %dma_start3A_97 = arith.constant 0 : i32
      %dma_start3A_98 = tpu.memref_slice %arg2[%add3A_59, %dma_start3A_97] : memref<8192x2048xf32, #tpu.memory_space<hbm>> -> memref<32x2048xf32, #tpu.memory_space<hbm>>
      %dma_start3A_99 = arith.constant 0 : i32
      %dma_start3A_100 = tpu.memref_slice %arg2[%add3A_59, %dma_start3A_99] : memref<8192x2048xf32, #tpu.memory_space<hbm>> -> memref<32x2048xf32, #tpu.memory_space<hbm>>
      tpu.enqueue_dma source(%dma_start3A_100 : memref<32x2048xf32, #tpu.memory_space<hbm>>) target(%arg4 : memref<32x2048xf32, #tpu.memory_space<vmem>>) target_semaphore(%run_scoped3A_96 : memref<!tpu.dma_semaphore, #tpu.memory_space<semaphore_mem>>)
      %dma_wait3A_101 = arith.constant 0 : i32
      %dma_wait3A_102 = tpu.memref_slice %arg2[%add3A_59, %dma_wait3A_101] : memref<8192x2048xf32, #tpu.memory_space<hbm>> -> memref<32x2048xf32, #tpu.memory_space<hbm>>
      %dma_wait3A_103 = arith.constant 0 : i32
      %dma_wait3A_104 = tpu.memref_slice %arg2[%add3A_59, %dma_wait3A_103] : memref<8192x2048xf32, #tpu.memory_space<hbm>> -> memref<32x2048xf32, #tpu.memory_space<hbm>>
      tpu.wait_dma2 semaphore(%run_scoped3A_96 : memref<!tpu.dma_semaphore, #tpu.memory_space<semaphore_mem>>) src(%dma_wait3A_104 : memref<32x2048xf32, #tpu.memory_space<hbm>>) dst(%arg4 : memref<32x2048xf32, #tpu.memory_space<vmem>>)
      tpu.yield
    }) : () -> ()
    %run_scoped3A_60 = arith.constant 0 : i32
    "tpu.region"() ({
      %run_scoped3A_96 = tpu.sem_alloc : memref<!tpu.dma_semaphore, #tpu.memory_space<semaphore_mem>>
      %dma_start3A_97 = arith.constant 0 : i32
      %dma_start3A_98 = tpu.memref_slice %arg3[%run_scoped3A_60, %add3A_59, %dma_start3A_97] : memref<4x4096x2048xf32, #tpu.memory_space<hbm>> -> memref<1x32x2048xf32, #tpu.memory_space<hbm>>
      %dma_start3A_99 = tpu.memref_squeeze %dma_start3A_98 : memref<1x32x2048xf32, #tpu.memory_space<hbm>> -> memref<32x2048xf32, #tpu.memory_space<hbm>>
      %dma_start3A_100 = arith.constant 0 : i32
      %dma_start3A_101 = tpu.memref_slice %arg3[%run_scoped3A_60, %add3A_59, %dma_start3A_100] : memref<4x4096x2048xf32, #tpu.memory_space<hbm>> -> memref<1x32x2048xf32, #tpu.memory_space<hbm>>
      %dma_start3A_102 = tpu.memref_squeeze %dma_start3A_101 : memref<1x32x2048xf32, #tpu.memory_space<hbm>> -> memref<32x2048xf32, #tpu.memory_space<hbm>>
      tpu.enqueue_dma source(%arg4 : memref<32x2048xf32, #tpu.memory_space<vmem>>) target(%dma_start3A_102 : memref<32x2048xf32, #tpu.memory_space<hbm>>) target_semaphore(%run_scoped3A_96 : memref<!tpu.dma_semaphore, #tpu.memory_space<semaphore_mem>>)
      %dma_wait3A_103 = arith.constant 0 : i32
      %dma_wait3A_104 = tpu.memref_slice %arg3[%run_scoped3A_60, %add3A_59, %dma_wait3A_103] : memref<4x4096x2048xf32, #tpu.memory_space<hbm>> -> memref<1x32x2048xf32, #tpu.memory_space<hbm>>
      %dma_wait3A_105 = tpu.memref_squeeze %dma_wait3A_104 : memref<1x32x2048xf32, #tpu.memory_space<hbm>> -> memref<32x2048xf32, #tpu.memory_space<hbm>>
      %dma_wait3A_106 = arith.constant 0 : i32
      %dma_wait3A_107 = tpu.memref_slice %arg3[%run_scoped3A_60, %add3A_59, %dma_wait3A_106] : memref<4x4096x2048xf32, #tpu.memory_space<hbm>> -> memref<1x32x2048xf32, #tpu.memory_space<hbm>>
      %dma_wait3A_108 = tpu.memref_squeeze %dma_wait3A_107 : memref<1x32x2048xf32, #tpu.memory_space<hbm>> -> memref<32x2048xf32, #tpu.memory_space<hbm>>
      tpu.wait_dma2 semaphore(%run_scoped3A_96 : memref<!tpu.dma_semaphore, #tpu.memory_space<semaphore_mem>>) src(%arg4 : memref<32x2048xf32, #tpu.memory_space<vmem>>) dst(%dma_wait3A_108 : memref<32x2048xf32, #tpu.memory_space<hbm>>)
      tpu.yield
    }) : () -> ()
    %run_scoped3A_61 = arith.constant 1 : i32
    "tpu.region"() ({
      %run_scoped3A_96 = tpu.sem_alloc : memref<!tpu.dma_semaphore, #tpu.memory_space<semaphore_mem>>
      %dma_start3A_97 = arith.constant 0 : i32
      %dma_start3A_98 = tpu.memref_slice %arg3[%run_scoped3A_61, %add3A_59, %dma_start3A_97] : memref<4x4096x2048xf32, #tpu.memory_space<hbm>> -> memref<1x32x2048xf32, #tpu.memory_space<hbm>>
      %dma_start3A_99 = tpu.memref_squeeze %dma_start3A_98 : memref<1x32x2048xf32, #tpu.memory_space<hbm>> -> memref<32x2048xf32, #tpu.memory_space<hbm>>
      %dma_start3A_100 = arith.constant 0 : i32
      %dma_start3A_101 = tpu.memref_slice %arg3[%run_scoped3A_61, %add3A_59, %dma_start3A_100] : memref<4x4096x2048xf32, #tpu.memory_space<hbm>> -> memref<1x32x2048xf32, #tpu.memory_space<hbm>>
      %dma_start3A_102 = tpu.memref_squeeze %dma_start3A_101 : memref<1x32x2048xf32, #tpu.memory_space<hbm>> -> memref<32x2048xf32, #tpu.memory_space<hbm>>
      tpu.enqueue_dma source(%arg4 : memref<32x2048xf32, #tpu.memory_space<vmem>>) target(%dma_start3A_102 : memref<32x2048xf32, #tpu.memory_space<hbm>>) target_semaphore(%run_scoped3A_96 : memref<!tpu.dma_semaphore, #tpu.memory_space<semaphore_mem>>)
      %dma_wait3A_103 = arith.constant 0 : i32
      %dma_wait3A_104 = tpu.memref_slice %arg3[%run_scoped3A_61, %add3A_59, %dma_wait3A_103] : memref<4x4096x2048xf32, #tpu.memory_space<hbm>> -> memref<1x32x2048xf32, #tpu.memory_space<hbm>>
      %dma_wait3A_105 = tpu.memref_squeeze %dma_wait3A_104 : memref<1x32x2048xf32, #tpu.memory_space<hbm>> -> memref<32x2048xf32, #tpu.memory_space<hbm>>
      %dma_wait3A_106 = arith.constant 0 : i32
      %dma_wait3A_107 = tpu.memref_slice %arg3[%run_scoped3A_61, %add3A_59, %dma_wait3A_106] : memref<4x4096x2048xf32, #tpu.memory_space<hbm>> -> memref<1x32x2048xf32, #tpu.memory_space<hbm>>
      %dma_wait3A_108 = tpu.memref_squeeze %dma_wait3A_107 : memref<1x32x2048xf32, #tpu.memory_space<hbm>> -> memref<32x2048xf32, #tpu.memory_space<hbm>>
      tpu.wait_dma2 semaphore(%run_scoped3A_96 : memref<!tpu.dma_semaphore, #tpu.memory_space<semaphore_mem>>) src(%arg4 : memref<32x2048xf32, #tpu.memory_space<vmem>>) dst(%dma_wait3A_108 : memref<32x2048xf32, #tpu.memory_space<hbm>>)
      tpu.yield
    }) : () -> ()
    %run_scoped3A_62 = arith.constant 2 : i32
    "tpu.region"() ({
      %run_scoped3A_96 = tpu.sem_alloc : memref<!tpu.dma_semaphore, #tpu.memory_space<semaphore_mem>>
      %dma_start3A_97 = arith.constant 0 : i32
      %dma_start3A_98 = tpu.memref_slice %arg3[%run_scoped3A_62, %add3A_59, %dma_start3A_97] : memref<4x4096x2048xf32, #tpu.memory_space<hbm>> -> memref<1x32x2048xf32, #tpu.memory_space<hbm>>
      %dma_start3A_99 = tpu.memref_squeeze %dma_start3A_98 : memref<1x32x2048xf32, #tpu.memory_space<hbm>> -> memref<32x2048xf32, #tpu.memory_space<hbm>>
      %dma_start3A_100 = arith.constant 0 : i32
      %dma_start3A_101 = tpu.memref_slice %arg3[%run_scoped3A_62, %add3A_59, %dma_start3A_100] : memref<4x4096x2048xf32, #tpu.memory_space<hbm>> -> memref<1x32x2048xf32, #tpu.memory_space<hbm>>
      %dma_start3A_102 = tpu.memref_squeeze %dma_start3A_101 : memref<1x32x2048xf32, #tpu.memory_space<hbm>> -> memref<32x2048xf32, #tpu.memory_space<hbm>>
      tpu.enqueue_dma source(%arg4 : memref<32x2048xf32, #tpu.memory_space<vmem>>) target(%dma_start3A_102 : memref<32x2048xf32, #tpu.memory_space<hbm>>) target_semaphore(%run_scoped3A_96 : memref<!tpu.dma_semaphore, #tpu.memory_space<semaphore_mem>>)
      %dma_wait3A_103 = arith.constant 0 : i32
      %dma_wait3A_104 = tpu.memref_slice %arg3[%run_scoped3A_62, %add3A_59, %dma_wait3A_103] : memref<4x4096x2048xf32, #tpu.memory_space<hbm>> -> memref<1x32x2048xf32, #tpu.memory_space<hbm>>
      %dma_wait3A_105 = tpu.memref_squeeze %dma_wait3A_104 : memref<1x32x2048xf32, #tpu.memory_space<hbm>> -> memref<32x2048xf32, #tpu.memory_space<hbm>>
      %dma_wait3A_106 = arith.constant 0 : i32
      %dma_wait3A_107 = tpu.memref_slice %arg3[%run_scoped3A_62, %add3A_59, %dma_wait3A_106] : memref<4x4096x2048xf32, #tpu.memory_space<hbm>> -> memref<1x32x2048xf32, #tpu.memory_space<hbm>>
      %dma_wait3A_108 = tpu.memref_squeeze %dma_wait3A_107 : memref<1x32x2048xf32, #tpu.memory_space<hbm>> -> memref<32x2048xf32, #tpu.memory_space<hbm>>
      tpu.wait_dma2 semaphore(%run_scoped3A_96 : memref<!tpu.dma_semaphore, #tpu.memory_space<semaphore_mem>>) src(%arg4 : memref<32x2048xf32, #tpu.memory_space<vmem>>) dst(%dma_wait3A_108 : memref<32x2048xf32, #tpu.memory_space<hbm>>)
      tpu.yield
    }) : () -> ()
    %run_scoped3A_63 = arith.constant 3 : i32
    "tpu.region"() ({
      %run_scoped3A_96 = tpu.sem_alloc : memref<!tpu.dma_semaphore, #tpu.memory_space<semaphore_mem>>
      %dma_start3A_97 = arith.constant 0 : i32
      %dma_start3A_98 = tpu.memref_slice %arg3[%run_scoped3A_63, %add3A_59, %dma_start3A_97] : memref<4x4096x2048xf32, #tpu.memory_space<hbm>> -> memref<1x32x2048xf32, #tpu.memory_space<hbm>>
      %dma_start3A_99 = tpu.memref_squeeze %dma_start3A_98 : memref<1x32x2048xf32, #tpu.memory_space<hbm>> -> memref<32x2048xf32, #tpu.memory_space<hbm>>
      %dma_start3A_100 = arith.constant 0 : i32
      %dma_start3A_101 = tpu.memref_slice %arg3[%run_scoped3A_63, %add3A_59, %dma_start3A_100] : memref<4x4096x2048xf32, #tpu.memory_space<hbm>> -> memref<1x32x2048xf32, #tpu.memory_space<hbm>>
      %dma_start3A_102 = tpu.memref_squeeze %dma_start3A_101 : memref<1x32x2048xf32, #tpu.memory_space<hbm>> -> memref<32x2048xf32, #tpu.memory_space<hbm>>
      tpu.enqueue_dma source(%arg4 : memref<32x2048xf32, #tpu.memory_space<vmem>>) target(%dma_start3A_102 : memref<32x2048xf32, #tpu.memory_space<hbm>>) target_semaphore(%run_scoped3A_96 : memref<!tpu.dma_semaphore, #tpu.memory_space<semaphore_mem>>)
      %dma_wait3A_103 = arith.constant 0 : i32
      %dma_wait3A_104 = tpu.memref_slice %arg3[%run_scoped3A_63, %add3A_59, %dma_wait3A_103] : memref<4x4096x2048xf32, #tpu.memory_space<hbm>> -> memref<1x32x2048xf32, #tpu.memory_space<hbm>>
      %dma_wait3A_105 = tpu.memref_squeeze %dma_wait3A_104 : memref<1x32x2048xf32, #tpu.memory_space<hbm>> -> memref<32x2048xf32, #tpu.memory_space<hbm>>
      %dma_wait3A_106 = arith.constant 0 : i32
      %dma_wait3A_107 = tpu.memref_slice %arg3[%run_scoped3A_63, %add3A_59, %dma_wait3A_106] : memref<4x4096x2048xf32, #tpu.memory_space<hbm>> -> memref<1x32x2048xf32, #tpu.memory_space<hbm>>
      %dma_wait3A_108 = tpu.memref_squeeze %dma_wait3A_107 : memref<1x32x2048xf32, #tpu.memory_space<hbm>> -> memref<32x2048xf32, #tpu.memory_space<hbm>>
      tpu.wait_dma2 semaphore(%run_scoped3A_96 : memref<!tpu.dma_semaphore, #tpu.memory_space<semaphore_mem>>) src(%arg4 : memref<32x2048xf32, #tpu.memory_space<vmem>>) dst(%dma_wait3A_108 : memref<32x2048xf32, #tpu.memory_space<hbm>>)
      tpu.yield
    }) : () -> ()
    %dma_wait3A_64 = arith.constant 0 : i32
    %dma_wait3A_65 = arith.constant 0 : i32
    %dma_wait3A_66 = tpu.memref_slice %arg3[%dma_wait3A_64, %add3A_4, %dma_wait3A_65] : memref<4x4096x2048xf32, #tpu.memory_space<hbm>> -> memref<1x32x2048xf32, #tpu.memory_space<hbm>>
    %dma_wait3A_67 = tpu.memref_squeeze %dma_wait3A_66 : memref<1x32x2048xf32, #tpu.memory_space<hbm>> -> memref<32x2048xf32, #tpu.memory_space<hbm>>
    %dma_wait3A_68 = arith.constant 0 : i32
    %dma_wait3A_69 = arith.constant 0 : i32
    %dma_wait3A_70 = tpu.memref_slice %arg5[%arg1, %dma_wait3A_68, %dma_wait3A_69] : memref<16x32x2048xf32, #tpu.memory_space<vmem_shared>> -> memref<1x32x2048xf32, #tpu.memory_space<vmem_shared>>
    %dma_wait3A_71 = tpu.memref_squeeze %dma_wait3A_70 : memref<1x32x2048xf32, #tpu.memory_space<vmem_shared>> -> memref<32x2048xf32, #tpu.memory_space<vmem_shared>>
    tpu.wait_dma2 semaphore(%arg7 : memref<!tpu.dma_semaphore, #tpu.memory_space<semaphore_mem>>) src(%dma_wait3A_71 : memref<32x2048xf32, #tpu.memory_space<vmem_shared>>) dst(%dma_wait3A_67 : memref<32x2048xf32, #tpu.memory_space<hbm>>)
    %dma_wait3A_72 = arith.constant 1 : i32
    %dma_wait3A_73 = arith.constant 0 : i32
    %dma_wait3A_74 = tpu.memref_slice %arg3[%dma_wait3A_72, %add3A_4, %dma_wait3A_73] : memref<4x4096x2048xf32, #tpu.memory_space<hbm>> -> memref<1x32x2048xf32, #tpu.memory_space<hbm>>
    %dma_wait3A_75 = tpu.memref_squeeze %dma_wait3A_74 : memref<1x32x2048xf32, #tpu.memory_space<hbm>> -> memref<32x2048xf32, #tpu.memory_space<hbm>>
    %dma_wait3A_76 = arith.constant 0 : i32
    %dma_wait3A_77 = arith.constant 0 : i32
    %dma_wait3A_78 = tpu.memref_slice %arg5[%arg1, %dma_wait3A_76, %dma_wait3A_77] : memref<16x32x2048xf32, #tpu.memory_space<vmem_shared>> -> memref<1x32x2048xf32, #tpu.memory_space<vmem_shared>>
    %dma_wait3A_79 = tpu.memref_squeeze %dma_wait3A_78 : memref<1x32x2048xf32, #tpu.memory_space<vmem_shared>> -> memref<32x2048xf32, #tpu.memory_space<vmem_shared>>
    tpu.wait_dma2 semaphore(%arg7 : memref<!tpu.dma_semaphore, #tpu.memory_space<semaphore_mem>>) src(%dma_wait3A_79 : memref<32x2048xf32, #tpu.memory_space<vmem_shared>>) dst(%dma_wait3A_75 : memref<32x2048xf32, #tpu.memory_space<hbm>>)
    %dma_wait3A_80 = arith.constant 2 : i32
    %dma_wait3A_81 = arith.constant 0 : i32
    %dma_wait3A_82 = tpu.memref_slice %arg3[%dma_wait3A_80, %add3A_4, %dma_wait3A_81] : memref<4x4096x2048xf32, #tpu.memory_space<hbm>> -> memref<1x32x2048xf32, #tpu.memory_space<hbm>>
    %dma_wait3A_83 = tpu.memref_squeeze %dma_wait3A_82 : memref<1x32x2048xf32, #tpu.memory_space<hbm>> -> memref<32x2048xf32, #tpu.memory_space<hbm>>
    %dma_wait3A_84 = arith.constant 0 : i32
    %dma_wait3A_85 = arith.constant 0 : i32
    %dma_wait3A_86 = tpu.memref_slice %arg5[%arg1, %dma_wait3A_84, %dma_wait3A_85] : memref<16x32x2048xf32, #tpu.memory_space<vmem_shared>> -> memref<1x32x2048xf32, #tpu.memory_space<vmem_shared>>
    %dma_wait3A_87 = tpu.memref_squeeze %dma_wait3A_86 : memref<1x32x2048xf32, #tpu.memory_space<vmem_shared>> -> memref<32x2048xf32, #tpu.memory_space<vmem_shared>>
    tpu.wait_dma2 semaphore(%arg7 : memref<!tpu.dma_semaphore, #tpu.memory_space<semaphore_mem>>) src(%dma_wait3A_87 : memref<32x2048xf32, #tpu.memory_space<vmem_shared>>) dst(%dma_wait3A_83 : memref<32x2048xf32, #tpu.memory_space<hbm>>)
    %dma_wait3A_88 = arith.constant 3 : i32
    %dma_wait3A_89 = arith.constant 0 : i32
    %dma_wait3A_90 = tpu.memref_slice %arg3[%dma_wait3A_88, %add3A_4, %dma_wait3A_89] : memref<4x4096x2048xf32, #tpu.memory_space<hbm>> -> memref<1x32x2048xf32, #tpu.memory_space<hbm>>
    %dma_wait3A_91 = tpu.memref_squeeze %dma_wait3A_90 : memref<1x32x2048xf32, #tpu.memory_space<hbm>> -> memref<32x2048xf32, #tpu.memory_space<hbm>>
    %dma_wait3A_92 = arith.constant 0 : i32
    %dma_wait3A_93 = arith.constant 0 : i32
    %dma_wait3A_94 = tpu.memref_slice %arg5[%arg1, %dma_wait3A_92, %dma_wait3A_93] : memref<16x32x2048xf32, #tpu.memory_space<vmem_shared>> -> memref<1x32x2048xf32, #tpu.memory_space<vmem_shared>>
    %dma_wait3A_95 = tpu.memref_squeeze %dma_wait3A_94 : memref<1x32x2048xf32, #tpu.memory_space<vmem_shared>> -> memref<32x2048xf32, #tpu.memory_space<vmem_shared>>
    tpu.wait_dma2 semaphore(%arg7 : memref<!tpu.dma_semaphore, #tpu.memory_space<semaphore_mem>>) src(%dma_wait3A_95 : memref<32x2048xf32, #tpu.memory_space<vmem_shared>>) dst(%dma_wait3A_91 : memref<32x2048xf32, #tpu.memory_space<hbm>>)
    return
  }
}

</mosaic_0001>

<sc_bundles>
// kernel: kernel.3.cloned.1.call-start
scs
__scs_entry_jumppad:
0x0: {  	(pc) =	sbr.rel $0x88, $3  }
0x1: {  	(tag) =	ssettag $0x0;
	lr =	simm.s32 $0x1  }
0x2: {  	[smem:$0x3FA0] =	sst lr;
	_ =	strace $0xD0000000  }
0x3: {  	_ = 	snop  }
0x4: {  	_ = 	snop  }
0x5: {  	_ = 	snop  }
0x6: {  	_ = 	snop  }
0x7: {  	_ = 	snop  }
__scs_overlays_trampoline_lowered:
0x8: {  	[smem:$0x3FAF] =	sst s0  }
0x9: {  	[smem:$0x3FB0] =	sst s1  }
0xa: {  	[smem:$0x3FB1] =	sst s2  }
0xb: {  	[smem:$0x3FB2] =	sst s3  }
0xc: {  	[smem:$0x3FB3] =	sst s4  }
0xd: {  	[smem:$0x3FB4] =	sst s5  }
0xe: {  	[smem:$0x3FB5] =	sst s6  }
0xf: {  	[smem:$0x3FB6] =	sst s7  }
0x10: {  	[smem:$0x3FB7] =	sst s8  }
0x11: {  	[smem:$0x3FB8] =	sst s9;
	s0 =	simm.s32 @!p0 $0x0  }
0x12: {  	s1 =	sld [smem:$0x3F9E];
	s0 =	simm.s32 @p0 $0x1  }
0x13: {  	[smem:$0x3FB9] =	sst s0;
	s0 =	simm.s32 @!p1 $0x0  }
0x14: {  	s2 =	sld [smem:$0x3F9D];
	s0 =	simm.s32 @p1 $0x1  }
0x15: {  	[smem:$0x3FBA] =	sst s0;
	s0 =	simm.s32 @!p2 $0x0  }
0x16: {  	s3 =	sld [smem:$0x3FDB];
	s0 =	simm.s32 @p2 $0x1  }
0x17: {  	s4 =	simm.s32 $0x1BF5;
	[smem:$0x3FBC] =	sst s0  }
0x18: {  	s0 =	sld [smem:$0x3F9F];
	_ =	swait.ge [sflag:s4], $0x0  }
0x19: {  	s7 =	sld [smem:$0x3FA0]  }
0x1a: {  	s8 =	sadd.s32 $0xFFFFE003, lr  }
0x1b: {  	s9 =	sadd.s32 $0xFFFFFEF7, lr;
	s5 =	simm.s32 $0xFFFFFFFF;
	p2 =	slt.u32 s8, $0xFFFFF086  }
0x1c: {  	p1 =	slt.u32 s9, $0xF7A;
	s5 =	simm.s32 @!p2 $0x0  }
0x1d: {  	s5 =	simm.s32 @p1 $0x1;
	p0 =	seq.s32 s7, s2  }
0x1e: {  	s7 =	smul.u32 @!p0 $0xF7A, s2;
	p2 =	seq.s32 @!p0 s5, $0x0  }
0x1f: {  	s9 =	smul.u32 $0xF7A, s1;
	s8 =	simm.s32 @!p0 $0x1BF5;
	p2 =	por !p2, p0  }
0x20: {  	[sflag:s8] =	ssyncset.s32 @!p0 $0xFFFFF086;
	s6 =	sadd.s32 @!p0 s3, s7;
	s7 =	simm.s32 @!p0 $0x108  }
0x21: {  	s3 =	sadd.s32 s3, s9;
	s6 =	sadd.s32 @!p0 $0x88, s6;
	s7 =	simm.s32 @p2 $0x1082  }
0x22: {  	[simem:s7], [sflag:s8] =	dma.local @!p0 [hbm:s6], $0xF7A  }
0x23: {  	s9 =	sor.u32 $0xD0000000, s2;
	s6 =	simm.s32 $0x108;
	_ =	swait.ge @!p0 [sflag:s8], $0x0  }
0x24: {  	s3 =	sadd.s32 $0x88, s3;
	s6 =	simm.s32 @!p1 $0x1082;
	[sflag:s4] =	ssyncset.s32 $0xFFFFF086  }
0x25: {  	[simem:s6], [sflag:s4] =	dma.local [hbm:s3], $0xF7A  }
0x26: {  	[smem:$0x3FA0] =	sst s1;
	(tag) =	ssettag s2;
	_ =	strace s9  }
0x27: {  	s1 =	sld [smem:$0x3FB0]  }
0x28: {  	s2 =	sld [smem:$0x3FB1]  }
0x29: {  	s4 =	sld [smem:$0x3FB3]  }
0x2a: {  	p0 =	seq.s32 s5, $0x0;
	s5 =	sld [smem:$0x3FB4]  }
0x2b: {  	s6 =	sld [smem:$0x3FB5]  }
0x2c: {  	s7 =	sld [smem:$0x3FB6]  }
0x2d: {  	s3 =	simm.s32 $0x108;
	s8 =	sld [smem:$0x3FB7]  }
0x2e: {  	s3 =	simm.s32 @!p0 $0x1082;
	s9 =	sld [smem:$0x3FB8]  }
0x2f: {  	lr =	sadd.s32 s0, s3;
	s0 =	sld [smem:$0x3FAF]  }
0x30: {  	s3 =	sld [smem:$0x3FB2]  }
0x31: {  	[smem:$0x3FBB] =	sst s10  }
0x32: {  	s10 =	sld [smem:$0x3FB9];
	_ =	sdelay $0x3  }
0x33: {  	p0 =	seq.s32 s10, $0x1;
	s10 =	sld [smem:$0x3FBB];
	_ =	sdelay $0x3  }
0x34: {  	[smem:$0x3FBB] =	sst s10  }
0x35: {  	s10 =	sld [smem:$0x3FBA];
	_ =	sdelay $0x3  }
0x36: {  	p1 =	seq.s32 s10, $0x1;
	s10 =	sld [smem:$0x3FBB];
	_ =	sdelay $0x3  }
0x37: {  	[smem:$0x3FBB] =	sst s10  }
0x38: {  	s10 =	sld [smem:$0x3FBC]  }
0x39: {  	_ = 	snop;
	(pc) =	sbr.ind lr, $3  }
0x3a: {  	_ = 	snop  }
0x3b: {  	_ = 	snop  }
0x3c: {  	p2 =	seq.s32 s10, $0x1;
	s10 =	sld [smem:$0x3FBB]  }
0x3d: {  	_ =	shalt  }
0x3e: {  	_ =	shalt  }
0x3f: {  	_ =	shalt  }
0x40: {  	_ =	shalt  }
0x41: {  	_ =	shalt  }
0x42: {  	_ =	shalt  }
0x43: {  	_ =	shalt  }
0x44: {  	_ =	shalt  }
0x45: {  	_ =	shalt  }
0x46: {  	_ =	shalt  }
0x47: {  	_ =	shalt  }
0x48: {  	_ =	shalt  }
0x49: {  	_ =	shalt  }
0x4a: {  	_ =	shalt  }
0x4b: {  	_ =	shalt  }
0x4c: {  	_ =	shalt  }
0x4d: {  	_ =	shalt  }
0x4e: {  	_ =	shalt  }
0x4f: {  	_ =	shalt  }
0x50: {  	_ =	shalt  }
0x51: {  	_ =	shalt  }
0x52: {  	_ =	shalt  }
0x53: {  	_ =	shalt  }
0x54: {  	_ =	shalt  }
0x55: {  	_ =	shalt  }
0x56: {  	_ =	shalt  }
0x57: {  	_ =	shalt  }
0x58: {  	_ =	shalt  }
0x59: {  	_ =	shalt  }
0x5a: {  	_ =	shalt  }
0x5b: {  	_ =	shalt  }
0x5c: {  	_ =	shalt  }
0x5d: {  	_ =	shalt  }
0x5e: {  	_ =	shalt  }
0x5f: {  	_ =	shalt  }
0x60: {  	_ =	shalt  }
0x61: {  	_ =	shalt  }
0x62: {  	_ =	shalt  }
0x63: {  	_ =	shalt  }
0x64: {  	_ =	shalt  }
0x65: {  	_ =	shalt  }
0x66: {  	_ =	shalt  }
0x67: {  	_ =	shalt  }
0x68: {  	_ =	shalt  }
0x69: {  	_ =	shalt  }
0x6a: {  	_ =	shalt  }
0x6b: {  	_ =	shalt  }
0x6c: {  	_ =	shalt  }
0x6d: {  	_ =	shalt  }
0x6e: {  	_ =	shalt  }
0x6f: {  	_ =	shalt  }
0x70: {  	_ =	shalt  }
0x71: {  	_ =	shalt  }
0x72: {  	_ =	shalt  }
0x73: {  	_ =	shalt  }
0x74: {  	_ =	shalt  }
0x75: {  	_ =	shalt  }
0x76: {  	_ =	shalt  }
0x77: {  	_ =	shalt  }
0x78: {  	_ =	shalt  }
0x79: {  	_ =	shalt  }
0x7a: {  	_ =	shalt  }
0x7b: {  	_ =	shalt  }
0x7c: {  	_ =	shalt  }
0x7d: {  	_ =	shalt  }
0x7e: {  	_ =	shalt  }
0x7f: {  	_ =	shalt  }
0x80: {  	_ =	shalt  }
0x81: {  	_ =	shalt  }
0x82: {  	_ =	shalt  }
0x83: {  	_ =	shalt  }
0x84: {  	_ =	shalt  }
0x85: {  	_ =	shalt  }
0x86: {  	_ =	shalt  }
0x87: {  	_ =	shalt  }
.Lfunc_end0:
.L_simem_size_0:
called_computation_lowered:
.L_overlay_start_0:
0x88: {  	s2 =	sld [smem:$0x3FD9]  }
0x89: {  	s3 =	sld [smem:$0x3FFE];
	_ =	sdelay $0x1  }
0x8a: {  	s1 =	srdreg.scid  }
0x8b: {  	s0 =	sand.u32 $0x1, s1  }
0x8c: {  	s18 =	sshll.u32 s0, $0xA;
	s2 =	sadd.s32 s3, s2  }
0x8d: {  	s2 =	sadd.s32 s2, s18  }
0x8e: {  	[smem:$0x3FC7] =	sst s2  }
0x8f: {  	_ = 	snop  }
0x90: {  	s2 =	sld [smem:$0x3FC9]  }
0x91: {  	s19 =	sld [smem:$0x3FD0];
	(tm) =	ssettm $0x1  }
0x92: {  	s4 =	sld [smem:$0x3FFB];
	_ =	sdelay $0x3  }
0x93: {  	_ =	strace s4  }
0x94: {  	s4 =	sld [smem:$0x3FFC];
	_ =	sdelay $0x3  }
0x95: {  	_ =	strace s4  }
0x96: {  	s4 =	sld [smem:$0x3FFD];
	_ =	sdelay $0x3  }
0x97: {  	_ =	strace s4  }
0x98: {  	_ =	strace $0x8FFFFFFF  }
0x99: {  	s20 =	sld [smem:$0x3FDB];
	_ =	sdelay $0x1  }
0x9a: {  	s5 =	simm.s32 $_scs_section_size  }
0x9b: {  	s6 =	simm.s32 $_size__tile_overlayer_lowered;
	s7 =	simm.s32 $_tile_overlayer_lowered  }
0x9c: {  	s23 =	simm.s32 $0x1BFF;
	s22 =	sshll.u32 s7, $0x1;
	s4 =	sadd.s32 s5, s20  }
0x9d: {  	s8 =	simm.s32 $0x0;
	s21 =	sshll.u32 s6, $0x1;
	s6 =	sadd.s32 s22, s4  }
0x9e: {  	[timem:s8], [sflag:s23] =	dma.local [hbm:s6], s21  }
0x9f: {  	_ =	swait.ge [sflag:s23], s21  }
0xa0: {  	s5 =	ssub.s32 $0x0, s21;
	[sflag:s23] =	ssyncset.done $0x0  }
0xa1: {  	[sflag:s23] =	ssyncadd.s32 s5;
	_ =	sdelay $0x1  }
0xa2: {  	s24 =	simm.s32 $0x1B8B  }
0xa3: {  	_ =	swait.ge [sflag:s24], $0x1  }
0xa4: {  	[sflag:s24] =	ssyncset.done $0x0  }
0xa5: {  	s25 =	simm.s32 $0x1B8E;
	[sflag:s24] =	ssyncadd.s32 $0xFFFFFFFF  }
0xa6: {  	s26 =	simm.s32 $execute0_lowered;
	[smem:$0x3FD2] =	sst s25  }
0xa7: {  	s5 =	sshll.u32 s26, $0x1;
	_ =	strace $0x80000046;
	[dreg:$0x1] =	wrdreg $0xFFFFFFFF  }
0xa8: {  	s28 =	simm.s32 $_size_execute0_lowered;
	s4 =	sadd.s32 s4, s5;
	[dreg:$0x0] =	wrdreg $0x0  }
0xa9: {  	s5 =	sshll.u32 s28, $0x1;
	[dreg:$0x2] =	wrdreg s4  }
0xaa: {  	[dreg:$0x3] =	wrdreg s5  }
0xab: {  	[dreg:$0x4] =	wrdreg $0xC0  }
0xac: {  	_ =	task [dreg:s8], $0x5FFFF  }
0xad: {  	[dreg:$0x1] =	wrdreg $0xFFFFFFFF  }
0xae: {  	[dreg:$0x0] =	wrdreg $0x60  }
0xaf: {  	[dreg:$0x2] =	wrdreg s2  }
0xb0: {  	[dreg:$0x3] =	wrdreg s19  }
0xb1: {  	[dreg:$0x4] =	wrdreg $0x100000  }
0xb2: {  	[dreg:$0x5] =	wrdreg $0x9  }
0xb3: {  	_ =	task.clear_ibuf [dreg:s8], $0x6FFFF;
	_ =	strace $0x90000046  }
0xb4: {  	s29 =	simm.s32 $0x9;
	_ =	strace $0x80000048  }
0xb5: {  	_ =	swait.ge [sflag:s29], $0x1  }
0xb6: {  	[sflag:s29] =	ssyncadd.s32 $0xFFFFFFFF  }
0xb7: {  	_ =	strace $0x90000048  }
0xb8: {  	_ =	sfence  }
0xb9: {  	s30 =	sld [smem:$0x0];
	_ =	sdelay $0x2  }
0xba: {  	s31 =	sshll.u32 s1, $0xD;
	s1 =	sshrl.u32 s1, $0x2  }
0xbb: {  	s3 =	sand.u32 $0x4000, s31;
	s1 =	sadd.s32 s1, s30  }
0xbc: {  	s0 =	sor.u32 s3, s0;
	s1 =	sshll.u32 s1, $0x11  }
0xbd: {  	s0 =	sor.u32 s1, s0  }
0xbe: {  	s0 =	sadd.s32 $0x8F2B, s0  }
0xbf: {  	[sflag:s0] =	ssyncadd.remote.s32 $0x1  }
0xc0: {  	_ =	sfence.sel $0xFFFF  }
0xc1: {  	[dreg:$0x0] =	wrdreg $0xFFFFFFFF;
	(pc) =	sbr.abs _section_cstart, $3  }
0xc2: {  	[dreg:$0x1] =	wrdreg $0xFFFFFFFF  }
0xc3: {  	_ =	task.clear_ibuf [dreg:s8], $0x2FFFF;
	_ =	strace $0x9FFFFFFF  }
0xc4: {  	(tm) =	ssettm $0x7FFFFFFF  }
0xc5: {  	_ =	shalt  }
tec
execute0_lowered:
.L_overlay_start_1:
0x0: {  	(tag) =	ssettag $0x1  }
0x1: {  	s23 =	rddreg [dreg:$0x0]  }
0x2: {  	s24 =	rddreg [dreg:$0x1]  }
0x3: {  	s3 =	rddreg [dreg:$0x2];
	s2 =	srdreg.scid  }
0x4: {  	s0 =	rddreg [dreg:$0x3];
	s1 =	stileid.u32  }
0x5: {  	s7 =	simm.s32 $0x3;
	s30 =	sand.u32 $0x1, s2;
	s2 =	simm.s32 $0x0  }
0x6: {  	s4 =	sshll.u32 s1, $0x10;
	s18 =	sshll.u32 s1, $0x6;
	s5 =	sshll.u32 s30, $0xF  }
0x7: {  	[smem:$0x7FF] =	sst s2;
	s6 =	sadd.s32 s4, s3;
	s25 =	sor.u32 s5, s4  }
0x8: {  	_ =	strace $0x80000047;
	s4 =	sor.u32 $0x1C01, s18;
	s12 =	sor.u32 $0x6000, s25  }
0x9: {  	s6 =	sshrl.u32 s6, $0x3;
	s5 =	sadd.s32 s23, s25;
	s3 =	sadd.s32 s23, s12  }
0xa: {  	[spmem:s6], [sflag:s4] =	dma.local [hbm:s3], $0x2000  }
0xb: {  	[tilespmem:s2], [sflag:$0x3] =	stream.linear.gather [hbm4b:s5+s2], $0x10000, $0x38;
	v63 =	vld [tilespmem:$0x0]  }
0xc: {  	_ =	swait.ge [sflag:s7], $0x10000  }
0xd: {  	[sflag:s7] =	ssyncset.done $0x0  }
0xe: {  	s8 =	sadd.s32 s24, s25;
	[sflag:s7] =	ssyncadd.s32 $0xFFFF0000  }
0xf: {  	[hbm4b:s8+s2] =	stream.linear.scatter [tilespmem:s2], [sflag:$0x3], $0x10000, $0x38;
	v63 =	vld [tilespmem:$0x0]  }
0x10: {  	_ =	swait.ge [sflag:s7], $0x10000  }
0x11: {  	[sflag:s7] =	ssyncset.done $0x0  }
0x12: {  	s9 =	sadd.s32 $0x100000, s8;
	[sflag:s7] =	ssyncadd.s32 $0xFFFF0000  }
0x13: {  	[hbm4b:s9+s2] =	stream.linear.scatter [tilespmem:s2], [sflag:$0x3], $0x10000, $0x38;
	v63 =	vld [tilespmem:$0x0]  }
0x14: {  	_ =	swait.ge [sflag:s7], $0x10000  }
0x15: {  	[sflag:s7] =	ssyncset.done $0x0  }
0x16: {  	s10 =	sadd.s32 $0x200000, s8;
	[sflag:s7] =	ssyncadd.s32 $0xFFFF0000  }
0x17: {  	[hbm4b:s10+s2] =	stream.linear.scatter [tilespmem:s2], [sflag:$0x3], $0x10000, $0x38;
	v63 =	vld [tilespmem:$0x0]  }
0x18: {  	_ =	swait.ge [sflag:s7], $0x10000  }
0x19: {  	[sflag:s7] =	ssyncset.done $0x0  }
0x1a: {  	s11 =	sadd.s32 $0x300000, s8;
	[sflag:s7] =	ssyncadd.s32 $0xFFFF0000  }
0x1b: {  	[hbm4b:s11+s2] =	stream.linear.scatter [tilespmem:s2], [sflag:$0x3], $0x10000, $0x38;
	v63 =	vld [tilespmem:$0x0]  }
0x1c: {  	_ =	swait.ge [sflag:s7], $0x10000  }
0x1d: {  	[sflag:s7] =	ssyncset.done $0x0  }
0x1e: {  	s13 =	simm.s32 $0x1;
	s18 =	sor.u32 $0x1C02, s18;
	[sflag:s7] =	ssyncadd.s32 $0xFFFF0000  }
0x1f: {  	s19 =	sor.u32 $0x2000, s25;
	s12 =	sadd.s32 s24, s12;
	_ =	swait.ge [sflag:s13], $0x2000  }
0x20: {  	s14 =	sadd.s32 $0x106000, s8;
	s15 =	sadd.s32 $0x206000, s8;
	[sflag:s13] =	ssyncset.done $0x0  }
0x21: {  	s16 =	sadd.s32 $0x306000, s8;
	s17 =	sadd.s32 s23, s19;
	[sflag:s13] =	ssyncadd.s32 $0xFFFFE000  }
0x22: {  	[hbm:s12], [sflag:s18] =	dma.local [spmem:s6], $0x2000  }
0x23: {  	[hbm:s14], [sflag:s18] =	dma.local [spmem:s6], $0x2000  }
0x24: {  	[hbm:s15], [sflag:s18] =	dma.local [spmem:s6], $0x2000  }
0x25: {  	[hbm:s16], [sflag:s18] =	dma.local [spmem:s6], $0x2000  }
0x26: {  	[tilespmem:s2], [sflag:$0x3] =	stream.linear.gather [hbm4b:s17+s2], $0x10000, $0x38;
	v63 =	vld [tilespmem:$0x0]  }
0x27: {  	_ =	swait.ge [sflag:s7], $0x10000  }
0x28: {  	[sflag:s7] =	ssyncset.done $0x0  }
0x29: {  	s19 =	sadd.s32 s24, s19;
	[sflag:s7] =	ssyncadd.s32 $0xFFFF0000  }
0x2a: {  	[hbm4b:s19+s2] =	stream.linear.scatter [tilespmem:s2], [sflag:$0x3], $0x10000, $0x38;
	v63 =	vld [tilespmem:$0x0]  }
0x2b: {  	_ =	swait.ge [sflag:s7], $0x10000  }
0x2c: {  	[sflag:s7] =	ssyncset.done $0x0  }
0x2d: {  	s20 =	sadd.s32 $0x102000, s8;
	[sflag:s7] =	ssyncadd.s32 $0xFFFF0000  }
0x2e: {  	[hbm4b:s20+s2] =	stream.linear.scatter [tilespmem:s2], [sflag:$0x3], $0x10000, $0x38;
	v63 =	vld [tilespmem:$0x0]  }
0x2f: {  	_ =	swait.ge [sflag:s7], $0x10000  }
0x30: {  	[sflag:s7] =	ssyncset.done $0x0  }
0x31: {  	s21 =	sadd.s32 $0x202000, s8;
	[sflag:s7] =	ssyncadd.s32 $0xFFFF0000  }
0x32: {  	[hbm4b:s21+s2] =	stream.linear.scatter [tilespmem:s2], [sflag:$0x3], $0x10000, $0x38;
	v63 =	vld [tilespmem:$0x0]  }
0x33: {  	_ =	swait.ge [sflag:s7], $0x10000  }
0x34: {  	[sflag:s7] =	ssyncset.done $0x0  }
0x35: {  	s22 =	sadd.s32 $0x302000, s8;
	[sflag:s7] =	ssyncadd.s32 $0xFFFF0000  }
0x36: {  	[hbm4b:s22+s2] =	stream.linear.scatter [tilespmem:s2], [sflag:$0x3], $0x10000, $0x38;
	v63 =	vld [tilespmem:$0x0]  }
0x37: {  	_ =	swait.ge [sflag:s7], $0x10000  }
0x38: {  	s25 =	sor.u32 $0x4000, s25;
	[sflag:s7] =	ssyncset.done $0x0  }
0x39: {  	s23 =	sadd.s32 s23, s25;
	[sflag:s7] =	ssyncadd.s32 $0xFFFF0000  }
0x3a: {  	[tilespmem:s2], [sflag:$0x3] =	stream.linear.gather [hbm4b:s23+s2], $0x10000, $0x38;
	v63 =	vld [tilespmem:$0x0]  }
0x3b: {  	_ =	swait.ge [sflag:s7], $0x10000  }
0x3c: {  	[sflag:s7] =	ssyncset.done $0x0  }
0x3d: {  	s24 =	sadd.s32 s24, s25;
	[sflag:s7] =	ssyncadd.s32 $0xFFFF0000  }
0x3e: {  	[hbm4b:s24+s2] =	stream.linear.scatter [tilespmem:s2], [sflag:$0x3], $0x10000, $0x38;
	v63 =	vld [tilespmem:$0x0]  }
0x3f: {  	_ =	swait.ge [sflag:s7], $0x10000  }
0x40: {  	[sflag:s7] =	ssyncset.done $0x0  }
0x41: {  	s25 =	sadd.s32 $0x104000, s8;
	[sflag:s7] =	ssyncadd.s32 $0xFFFF0000  }
0x42: {  	[hbm4b:s25+s2] =	stream.linear.scatter [tilespmem:s2], [sflag:$0x3], $0x10000, $0x38;
	v63 =	vld [tilespmem:$0x0]  }
0x43: {  	_ =	swait.ge [sflag:s7], $0x10000  }
0x44: {  	[sflag:s7] =	ssyncset.done $0x0  }
0x45: {  	s26 =	sadd.s32 $0x204000, s8;
	[sflag:s7] =	ssyncadd.s32 $0xFFFF0000  }
0x46: {  	[hbm4b:s26+s2] =	stream.linear.scatter [tilespmem:s2], [sflag:$0x3], $0x10000, $0x38;
	v63 =	vld [tilespmem:$0x0]  }
0x47: {  	_ =	swait.ge [sflag:s7], $0x10000  }
0x48: {  	[sflag:s7] =	ssyncset.done $0x0  }
0x49: {  	s28 =	sadd.s32 $0x304000, s8;
	[sflag:s7] =	ssyncadd.s32 $0xFFFF0000  }
0x4a: {  	[hbm4b:s28+s2] =	stream.linear.scatter [tilespmem:s2], [sflag:$0x3], $0x10000, $0x38;
	v63 =	vld [tilespmem:$0x0]  }
0x4b: {  	_ =	swait.ge [sflag:s7], $0x10000  }
0x4c: {  	[sflag:s7] =	ssyncset.done $0x0  }
0x4d: {  	s29 =	simm.s32 $0x2;
	[sflag:s7] =	ssyncadd.s32 $0xFFFF0000  }
0x4e: {  	_ =	swait.ge [sflag:s29], $0x2000  }
0x4f: {  	s30 =	ssub.s32 $0x2, s30;
	[sflag:s29] =	ssyncset.done $0x0  }
0x50: {  	s31 =	sshrl.u32 s30, $0x1;
	[sflag:s29] =	ssyncadd.s32 $0xFFFFE000  }
0x51: {  	s30 =	ssub.s32 s30, s31;
	_ =	swait.ge [sflag:s29], $0x2000  }
0x52: {  	s30 =	smax.u32 s30, $0x1;
	[sflag:s29] =	ssyncset.done $0x0  }
0x53: {  	p0 =	sne.s32 s30, $0x1;
	[sflag:s29] =	ssyncadd.s32 $0xFFFFE000  }
.Ltmp0:
0x54: {  	_ =	swait.ge [sflag:s29], $0x2000;
	(pc) =	sbr.rel @!p0 .LBB2_2-.Ltmp0, $4  }
0x55: {  	[sflag:s29] =	ssyncset.done $0x0  }
0x56: {  	[sflag:s29] =	ssyncadd.s32 $0xFFFFE000  }
0x57: {  	_ =	swait.ge [sflag:s29], $0x2000  }
0x58: {  	s30 =	sadd.s32 $0xFFFFFFFF, s30;
	[sflag:s29] =	ssyncset.done $0x0  }
.LBB2_1:
0x59: {  	p0 =	sne.s32 s30, $0x1;
	s30 =	sadd.s32 $0xFFFFFFFF, s30;
	[sflag:s29] =	ssyncadd.s32 $0xFFFFE000  }
0x5a: {  	[spmem:s6], [sflag:s4] =	dma.local [hbm:s3], $0x2000  }
0x5b: {  	[tilespmem:s2], [sflag:$0x3] =	stream.linear.gather [hbm4b:s5+s2], $0x10000, $0x38;
	v63 =	vld [tilespmem:$0x0]  }
0x5c: {  	_ =	swait.ge [sflag:s7], $0x10000  }
0x5d: {  	[sflag:s7] =	ssyncset.done $0x0  }
0x5e: {  	[sflag:s7] =	ssyncadd.s32 $0xFFFF0000  }
0x5f: {  	[hbm4b:s8+s2] =	stream.linear.scatter [tilespmem:s2], [sflag:$0x3], $0x10000, $0x38;
	v63 =	vld [tilespmem:$0x0]  }
0x60: {  	_ =	swait.ge [sflag:s7], $0x10000  }
0x61: {  	[sflag:s7] =	ssyncset.done $0x0  }
0x62: {  	[sflag:s7] =	ssyncadd.s32 $0xFFFF0000  }
0x63: {  	[hbm4b:s9+s2] =	stream.linear.scatter [tilespmem:s2], [sflag:$0x3], $0x10000, $0x38;
	v63 =	vld [tilespmem:$0x0]  }
0x64: {  	_ =	swait.ge [sflag:s7], $0x10000  }
0x65: {  	[sflag:s7] =	ssyncset.done $0x0  }
0x66: {  	[sflag:s7] =	ssyncadd.s32 $0xFFFF0000  }
0x67: {  	[hbm4b:s10+s2] =	stream.linear.scatter [tilespmem:s2], [sflag:$0x3], $0x10000, $0x38;
	v63 =	vld [tilespmem:$0x0]  }
0x68: {  	_ =	swait.ge [sflag:s7], $0x10000  }
0x69: {  	[sflag:s7] =	ssyncset.done $0x0  }
0x6a: {  	[sflag:s7] =	ssyncadd.s32 $0xFFFF0000  }
0x6b: {  	[hbm4b:s11+s2] =	stream.linear.scatter [tilespmem:s2], [sflag:$0x3], $0x10000, $0x38;
	v63 =	vld [tilespmem:$0x0]  }
0x6c: {  	_ =	swait.ge [sflag:s7], $0x10000  }
0x6d: {  	[sflag:s7] =	ssyncset.done $0x0  }
0x6e: {  	[sflag:s7] =	ssyncadd.s32 $0xFFFF0000  }
0x6f: {  	_ =	swait.ge [sflag:s13], $0x2000  }
0x70: {  	[sflag:s13] =	ssyncset.done $0x0  }
0x71: {  	[sflag:s13] =	ssyncadd.s32 $0xFFFFE000  }
0x72: {  	[hbm:s12], [sflag:s18] =	dma.local [spmem:s6], $0x2000  }
0x73: {  	[hbm:s14], [sflag:s18] =	dma.local [spmem:s6], $0x2000  }
0x74: {  	[hbm:s15], [sflag:s18] =	dma.local [spmem:s6], $0x2000  }
0x75: {  	[hbm:s16], [sflag:s18] =	dma.local [spmem:s6], $0x2000  }
0x76: {  	[tilespmem:s2], [sflag:$0x3] =	stream.linear.gather [hbm4b:s17+s2], $0x10000, $0x38;
	v63 =	vld [tilespmem:$0x0]  }
0x77: {  	_ =	swait.ge [sflag:s7], $0x10000  }
0x78: {  	[sflag:s7] =	ssyncset.done $0x0  }
0x79: {  	[sflag:s7] =	ssyncadd.s32 $0xFFFF0000  }
0x7a: {  	[hbm4b:s19+s2] =	stream.linear.scatter [tilespmem:s2], [sflag:$0x3], $0x10000, $0x38;
	v63 =	vld [tilespmem:$0x0]  }
0x7b: {  	_ =	swait.ge [sflag:s7], $0x10000  }
0x7c: {  	[sflag:s7] =	ssyncset.done $0x0  }
0x7d: {  	[sflag:s7] =	ssyncadd.s32 $0xFFFF0000  }
0x7e: {  	[hbm4b:s20+s2] =	stream.linear.scatter [tilespmem:s2], [sflag:$0x3], $0x10000, $0x38;
	v63 =	vld [tilespmem:$0x0]  }
0x7f: {  	_ =	swait.ge [sflag:s7], $0x10000  }
0x80: {  	[sflag:s7] =	ssyncset.done $0x0  }
0x81: {  	[sflag:s7] =	ssyncadd.s32 $0xFFFF0000  }
0x82: {  	[hbm4b:s21+s2] =	stream.linear.scatter [tilespmem:s2], [sflag:$0x3], $0x10000, $0x38;
	v63 =	vld [tilespmem:$0x0]  }
0x83: {  	_ =	swait.ge [sflag:s7], $0x10000  }
0x84: {  	[sflag:s7] =	ssyncset.done $0x0  }
0x85: {  	[sflag:s7] =	ssyncadd.s32 $0xFFFF0000  }
0x86: {  	[hbm4b:s22+s2] =	stream.linear.scatter [tilespmem:s2], [sflag:$0x3], $0x10000, $0x38;
	v63 =	vld [tilespmem:$0x0]  }
0x87: {  	_ =	swait.ge [sflag:s7], $0x10000  }
0x88: {  	[sflag:s7] =	ssyncset.done $0x0  }
0x89: {  	[sflag:s7] =	ssyncadd.s32 $0xFFFF0000  }
0x8a: {  	[tilespmem:s2], [sflag:$0x3] =	stream.linear.gather [hbm4b:s23+s2], $0x10000, $0x38;
	v63 =	vld [tilespmem:$0x0]  }
0x8b: {  	_ =	swait.ge [sflag:s7], $0x10000  }
0x8c: {  	[sflag:s7] =	ssyncset.done $0x0  }
0x8d: {  	[sflag:s7] =	ssyncadd.s32 $0xFFFF0000  }
0x8e: {  	[hbm4b:s24+s2] =	stream.linear.scatter [tilespmem:s2], [sflag:$0x3], $0x10000, $0x38;
	v63 =	vld [tilespmem:$0x0]  }
0x8f: {  	_ =	swait.ge [sflag:s7], $0x10000  }
0x90: {  	[sflag:s7] =	ssyncset.done $0x0  }
0x91: {  	[sflag:s7] =	ssyncadd.s32 $0xFFFF0000  }
0x92: {  	[hbm4b:s25+s2] =	stream.linear.scatter [tilespmem:s2], [sflag:$0x3], $0x10000, $0x38;
	v63 =	vld [tilespmem:$0x0]  }
0x93: {  	_ =	swait.ge [sflag:s7], $0x10000  }
0x94: {  	[sflag:s7] =	ssyncset.done $0x0  }
0x95: {  	[sflag:s7] =	ssyncadd.s32 $0xFFFF0000  }
0x96: {  	[hbm4b:s26+s2] =	stream.linear.scatter [tilespmem:s2], [sflag:$0x3], $0x10000, $0x38;
	v63 =	vld [tilespmem:$0x0]  }
0x97: {  	_ =	swait.ge [sflag:s7], $0x10000  }
0x98: {  	[sflag:s7] =	ssyncset.done $0x0  }
0x99: {  	[sflag:s7] =	ssyncadd.s32 $0xFFFF0000  }
0x9a: {  	[hbm4b:s28+s2] =	stream.linear.scatter [tilespmem:s2], [sflag:$0x3], $0x10000, $0x38;
	v63 =	vld [tilespmem:$0x0]  }
0x9b: {  	_ =	swait.ge [sflag:s7], $0x10000  }
0x9c: {  	[sflag:s7] =	ssyncset.done $0x0  }
0x9d: {  	[sflag:s7] =	ssyncadd.s32 $0xFFFF0000  }
0x9e: {  	_ =	swait.ge [sflag:s29], $0x2000  }
0x9f: {  	[sflag:s29] =	ssyncset.done $0x0  }
0xa0: {  	[sflag:s29] =	ssyncadd.s32 $0xFFFFE000  }
0xa1: {  	_ =	swait.ge [sflag:s29], $0x2000  }
0xa2: {  	[sflag:s29] =	ssyncset.done $0x0  }
0xa3: {  	[sflag:s29] =	ssyncadd.s32 $0xFFFFE000  }
.Ltmp1:
0xa4: {  	_ =	swait.ge [sflag:s29], $0x2000;
	(pc) =	sbr.rel @p0 .LBB2_1-.Ltmp1, $4  }
0xa5: {  	[sflag:s29] =	ssyncset.done $0x0  }
0xa6: {  	[sflag:s29] =	ssyncadd.s32 $0xFFFFE000  }
0xa7: {  	_ =	swait.ge [sflag:s29], $0x2000  }
0xa8: {  	[sflag:s29] =	ssyncset.done $0x0  }
.LBB2_2:
0xa9: {  	[sflag:s29] =	ssyncadd.s32 $0xFFFFE000  }
0xaa: {  	_ =	sfence.sel $0x180000  }
0xab: {  	[bflag:$0x0] =	sbarrier.arrive $0xFFFF  }
0xac: {  	p0 =	sne.s32 s1, $0x0;
	_ =	strace $0x90000047  }
0xad: {  	s0 =	sadd.s32 @!p0 $0x100000, s0;
	[bflag:$0x2] =	sbarrier.arrive $0xFFFF  }
0xae: {  	[sflag:s0] =	ssyncadd.tile.s32 @!p0 $0x1;
	_ =	shalt  }
.Lfunc_end2:
_tile_overlayer_lowered:
.L_overlay_start_2:
0xaf: {  	(tag) =	ssettag $0x2  }
0xb0: {  	s0 =	rddreg [dreg:$0x0];
	s2 =	stileid.u32  }
0xb1: {  	s1 =	rddreg [dreg:$0x1];
	p0 =	sne.s32 s2, $0x0  }
0xb2: {  	s3 =	rddreg [dreg:$0x2];
	[bflag:$0x3] =	sbarrier.arrive $0xFFFF;
	s2 =	simm.s32 @!p0 $0x1C03  }
0xb3: {  	[timem:s3], [sflag:s2] =	dma.local @!p0 [hbm:s0], s1  }
0xb4: {  	s0 =	simm.s32 @!p0 $0x3  }
0xb5: {  	_ =	swait.ge @!p0 [sflag:s0], s1  }
0xb6: {  	s1 =	ssub.s32 @!p0 $0x0, s1;
	[sflag:s0] =	ssyncset.done @!p0 $0x0  }
0xb7: {  	[sflag:s0] =	ssyncadd.s32 @!p0 s1  }
0xb8: {  	[bflag:$0x3] =	sbarrier.arrive $0xFFFF  }
0xb9: {  	_ =	shalt  }

</sc_bundles>
